<compile_context>
chip_gen: v7x
topology: tpu7x:2x2x1
jax: 0.10.2.dev20260603
libtpu: 0.0.44.dev20260713+nightly
codegen_flags: <defaults>
</compile_context>

<pallas_src>
import functools

import jax
import jax.numpy as jnp
from jax import lax
from jax.experimental import pallas as pl
from jax.experimental.pallas import tpu as pltpu
from jax.experimental.pallas import tpu_sc as plsc

N_NODES = 100000
FEAT = 256
BATCH = 16384

NC = 2
NS = 16
NW = NC * NS
CHUNK = 128

N_SLICES = 1
SLICE = BATCH // N_SLICES

BB = 4096


DEPTH = 3


def _gather_body(slice_off, n_rows,
                 src_idx_hbm, dst_idx_hbm, table_hbm, src_out, dst_out,
                 idx_v, rows_v0, rows_v1, rows_v2,
                 sem_i, sem_g0, sem_g1, sem_g2, sem_o0, sem_o1, sem_o2):
    b_per_w = n_rows // NW
    n_chunks = b_per_w // CHUNK
    wid = lax.axis_index("s") * NC + lax.axis_index("c")
    rows_v = (rows_v0, rows_v1, rows_v2)
    sem_g = (sem_g0, sem_g1, sem_g2)
    sem_o = (sem_o0, sem_o1, sem_o2)

    in_base = slice_off + wid * b_per_w
    ia = pltpu.async_copy(src_idx_hbm.at[pl.ds(in_base, b_per_w)],
                          idx_v.at[pl.ds(0, b_per_w)], sem_i)
    ib = pltpu.async_copy(dst_idx_hbm.at[pl.ds(in_base, b_per_w)],
                          idx_v.at[pl.ds(b_per_w, b_per_w)], sem_i)
    ia.wait()
    ib.wait()

    steps = []
    for t, out_hbm in ((0, src_out), (1, dst_out)):
        for c in range(n_chunks):
            steps.append((out_hbm, wid * b_per_w + c * CHUNK,
                          t * b_per_w + c * CHUNK))
    n = len(steps)

    def fire(c):
        b = c % DEPTH
        _, _, idx_off = steps[c]
        return pltpu.async_copy(
            table_hbm.at[idx_v.at[pl.ds(idx_off, CHUNK)]], rows_v[b],
            sem_g[b])

    g = [None] * n
    o = [None] * n
    for c in range(min(DEPTH, n)):
        g[c] = fire(c)
    for c in range(n):
        b = c % DEPTH
        g[c].wait()
        out_hbm, out_off, _ = steps[c]
        o[c] = pltpu.async_copy(rows_v[b], out_hbm.at[pl.ds(out_off, CHUNK)],
                                sem_o[b])
        if c + DEPTH < n:
            o[c].wait()
            g[c + DEPTH] = fire(c + DEPTH)
    for c in range(max(0, n - DEPTH), n):
        o[c].wait()


def _gather(source_nodes, destination_nodes, node_features, slice_off, n_rows):
    mesh = plsc.VectorSubcoreMesh(
        core_axis_name="c", subcore_axis_name="s",
        num_cores=NC, num_subcores=NS)
    out_type = (
        jax.ShapeDtypeStruct((n_rows, FEAT), jnp.float32),
        jax.ShapeDtypeStruct((n_rows, FEAT), jnp.float32),
    )
    k = pl.kernel(
        functools.partial(_gather_body, slice_off, n_rows),
        out_type=out_type,
        mesh=mesh,
        scratch_types=[
            pltpu.VMEM((2 * (n_rows // NW),), jnp.int32),
            pltpu.VMEM((CHUNK, FEAT), jnp.float32),
            pltpu.VMEM((CHUNK, FEAT), jnp.float32),
            pltpu.VMEM((CHUNK, FEAT), jnp.float32),
            pltpu.SemaphoreType.DMA,
            pltpu.SemaphoreType.DMA,
            pltpu.SemaphoreType.DMA,
            pltpu.SemaphoreType.DMA,
            pltpu.SemaphoreType.DMA,
            pltpu.SemaphoreType.DMA,
            pltpu.SemaphoreType.DMA,
        ],
    )
    return k(source_nodes, destination_nodes, node_features)


def _mlp_body(src_ref, dst_ref, w1_ref, b1_ref, w2_ref, b2_ref, out_ref):
    src = src_ref[...]
    dst = dst_ref[...]
    w1a = w1_ref[:FEAT, :]
    w1b = w1_ref[FEAT:, :]
    h = jnp.dot(src, w1a, preferred_element_type=jnp.float32)
    h += jnp.dot(dst, w1b, preferred_element_type=jnp.float32)
    h = jnp.maximum(h + b1_ref[...], 0.0)
    s = jnp.dot(h, w2_ref[...], preferred_element_type=jnp.float32)
    out_ref[...] = s[:, 0] + b2_ref[0, 0]


def _mlp(src_emb, dst_emb, W1, b1, W2, b2):
    batch = src_emb.shape[0]
    grid = (batch // BB,)
    return pl.pallas_call(
        _mlp_body,
        grid=grid,
        in_specs=[
            pl.BlockSpec((BB, FEAT), lambda i: (i, 0)),
            pl.BlockSpec((BB, FEAT), lambda i: (i, 0)),
            pl.BlockSpec((2 * FEAT, FEAT), lambda i: (0, 0)),
            pl.BlockSpec((1, FEAT), lambda i: (0, 0)),
            pl.BlockSpec((FEAT, 1), lambda i: (0, 0)),
            pl.BlockSpec((1, 1), lambda i: (0, 0)),
        ],
        out_specs=pl.BlockSpec((BB,), lambda i: (i,)),
        out_shape=jax.ShapeDtypeStruct((batch,), jnp.float32),
    )(src_emb, dst_emb, W1, b1, W2, b2)


def kernel(node_features, source_nodes, destination_nodes, W1, b1, W2, b2):
    b1r = b1.reshape(1, FEAT)
    b2r = b2.reshape(1, 1)
    scores = []
    for s in range(N_SLICES):
        src_emb, dst_emb = _gather(source_nodes, destination_nodes,
                                   node_features, s * SLICE, SLICE)
        scores.append(_mlp(src_emb, dst_emb, W1, b1r, W2, b2r))
    return jnp.concatenate(scores).reshape(BATCH, 1)

# --- scband reference (transcript-rebuilt; emitter-appended) ---
"""Pipeline reference for scband-mlp-predictor-72318659330835 (READ-ONLY COPY).

The authoritative reference and input builder live on the scoring server;
editing this copy changes nothing except your own understanding.
"""

import jax, jax.numpy as jnp
import numpy as np

N_NODES = 100000
FEAT_DIM = 256
BATCH = 16384


def setup_inputs(seed: int = 0) -> dict:
    key = jax.random.key(seed)
    k1, k2, k3, k4, k5, k6, k7 = jax.random.split(key, 7)
    node_features = jax.random.normal(k1, (N_NODES, FEAT_DIM), dtype=jnp.float32)
    source_nodes = jax.random.randint(k2, (BATCH,), 0, N_NODES, dtype=jnp.int32)
    destination_nodes = jax.random.randint(k3, (BATCH,), 0, N_NODES, dtype=jnp.int32)
    # MergeLayer(feat_dim, feat_dim, feat_dim, 1): fc1: Linear(2F -> F), fc2: Linear(F -> 1)
    lim1 = 1.0 / np.sqrt(2 * FEAT_DIM)
    lim2 = 1.0 / np.sqrt(FEAT_DIM)
    W1 = jax.random.uniform(k4, (2 * FEAT_DIM, FEAT_DIM), dtype=jnp.float32, minval=-lim1, maxval=lim1)
    b1 = jax.random.uniform(k5, (FEAT_DIM,), dtype=jnp.float32, minval=-lim1, maxval=lim1)
    W2 = jax.random.uniform(k6, (FEAT_DIM, 1), dtype=jnp.float32, minval=-lim2, maxval=lim2)
    b2 = jax.random.uniform(k7, (1,), dtype=jnp.float32, minval=-lim2, maxval=lim2)
    return {
        "node_features": node_features,
        "source_nodes": source_nodes,
        "destination_nodes": destination_nodes,
        "W1": W1,
        "b1": b1,
        "W2": W2,
        "b2": b2,
    }


def reference(node_features, source_nodes, destination_nodes, W1, b1, W2, b2):
    # Embedding lookup (gather rows of the node feature table)
    src_emb = jnp.take(node_features, source_nodes, axis=0)
    dst_emb = jnp.take(node_features, destination_nodes, axis=0)
    # MergeLayer: concat -> Linear -> ReLU -> Linear
    x = jnp.concatenate([src_emb, dst_emb], axis=1)
    h = jax.nn.relu(x @ W1 + b1)
    score = h @ W2 + b2
    return score

if __name__ == "__main__":
    import jax
    _d = setup_inputs()
    print(jax.jit(kernel)(*tuple(_d.values())))

</pallas_src>

<mosaic_0001>
#map = affine_map<(d0, d1) -> (0)>
#map1 = affine_map<(d0, d1) -> (0, 0)>
module attributes {stable_mosaic.version = 14 : i64} {
  func.func @_gather_body(%arg0: i32, %arg1: i32, %arg2: memref<16384xi32, #tpu.memory_space<hbm>>, %arg3: memref<16384xi32, #tpu.memory_space<hbm>>, %arg4: memref<100000x256xf32, #tpu.memory_space<hbm>>, %arg5: memref<16384x256xf32, #tpu.memory_space<hbm>>, %arg6: memref<16384x256xf32, #tpu.memory_space<hbm>>, %arg7: memref<1024xi32, #tpu.memory_space<vmem>>, %arg8: memref<128x256xf32, #tpu.memory_space<vmem>>, %arg9: memref<128x256xf32, #tpu.memory_space<vmem>>, %arg10: memref<128x256xf32, #tpu.memory_space<vmem>>, %arg11: memref<!tpu.dma_semaphore, #tpu.memory_space<semaphore_mem>>, %arg12: memref<!tpu.dma_semaphore, #tpu.memory_space<semaphore_mem>>, %arg13: memref<!tpu.dma_semaphore, #tpu.memory_space<semaphore_mem>>, %arg14: memref<!tpu.dma_semaphore, #tpu.memory_space<semaphore_mem>>, %arg15: memref<!tpu.dma_semaphore, #tpu.memory_space<semaphore_mem>>, %arg16: memref<!tpu.dma_semaphore, #tpu.memory_space<semaphore_mem>>, %arg17: memref<!tpu.dma_semaphore, #tpu.memory_space<semaphore_mem>>) attributes {dimension_semantics = [#tpu.dimension_semantics<core_parallel>, #tpu.dimension_semantics<subcore_parallel>], iteration_bounds = array<i64: 2, 16>, scalar_prefetch = 0 : i64, scratch_operands = 11 : i64, tpu.core_type = #tpu.core_type<sc_vector_subcore>, window_params = [{transform_indices = #map}, {transform_indices = #map}, {transform_indices = #map1}, {transform_indices = #map1}, {transform_indices = #map1}]} {
    %mul3A = arith.constant 2 : i32
    %mul3A_0 = arith.muli %arg1, %mul3A : i32
    %add3A = arith.addi %mul3A_0, %arg0 : i32
    %mul3A_1 = arith.constant 512 : i32
    %mul3A_2 = arith.muli %add3A, %mul3A_1 : i32
    %add3A_3 = arith.constant 0 : i32
    %add3A_4 = arith.addi %add3A_3, %mul3A_2 : i32
    %dma_start3A = arith.constant 0 : i32
    %dma_start3A_5 = tpu.memref_slice %arg7[%dma_start3A] : memref<1024xi32, #tpu.memory_space<vmem>> -> memref<512xi32, #tpu.memory_space<vmem>>
    %dma_start3A_6 = tpu.memref_slice %arg2[%add3A_4] : memref<16384xi32, #tpu.memory_space<hbm>> -> memref<512xi32, #tpu.memory_space<hbm>>
    %dma_start3A_7 = arith.constant 0 : i32
    %dma_start3A_8 = tpu.memref_slice %arg7[%dma_start3A_7] : memref<1024xi32, #tpu.memory_space<vmem>> -> memref<512xi32, #tpu.memory_space<vmem>>
    %dma_start3A_9 = tpu.memref_slice %arg2[%add3A_4] : memref<16384xi32, #tpu.memory_space<hbm>> -> memref<512xi32, #tpu.memory_space<hbm>>
    tpu.enqueue_dma source(%dma_start3A_9 : memref<512xi32, #tpu.memory_space<hbm>>) target(%dma_start3A_8 : memref<512xi32, #tpu.memory_space<vmem>>) target_semaphore(%arg11 : memref<!tpu.dma_semaphore, #tpu.memory_space<semaphore_mem>>)
    %dma_start3A_10 = arith.constant 512 : i32
    %dma_start3A_11 = tpu.memref_slice %arg7[%dma_start3A_10] : memref<1024xi32, #tpu.memory_space<vmem>> -> memref<512xi32, #tpu.memory_space<vmem>>
    %dma_start3A_12 = tpu.memref_slice %arg3[%add3A_4] : memref<16384xi32, #tpu.memory_space<hbm>> -> memref<512xi32, #tpu.memory_space<hbm>>
    %dma_start3A_13 = arith.constant 512 : i32
    %dma_start3A_14 = tpu.memref_slice %arg7[%dma_start3A_13] : memref<1024xi32, #tpu.memory_space<vmem>> -> memref<512xi32, #tpu.memory_space<vmem>>
    %dma_start3A_15 = tpu.memref_slice %arg3[%add3A_4] : memref<16384xi32, #tpu.memory_space<hbm>> -> memref<512xi32, #tpu.memory_space<hbm>>
    tpu.enqueue_dma source(%dma_start3A_15 : memref<512xi32, #tpu.memory_space<hbm>>) target(%dma_start3A_14 : memref<512xi32, #tpu.memory_space<vmem>>) target_semaphore(%arg11 : memref<!tpu.dma_semaphore, #tpu.memory_space<semaphore_mem>>)
    %dma_wait3A = arith.constant 0 : i32
    %dma_wait3A_16 = tpu.memref_slice %arg7[%dma_wait3A] : memref<1024xi32, #tpu.memory_space<vmem>> -> memref<512xi32, #tpu.memory_space<vmem>>
    %dma_wait3A_17 = tpu.memref_slice %arg2[%add3A_4] : memref<16384xi32, #tpu.memory_space<hbm>> -> memref<512xi32, #tpu.memory_space<hbm>>
    %dma_wait3A_18 = arith.constant 0 : i32
    %dma_wait3A_19 = tpu.memref_slice %arg7[%dma_wait3A_18] : memref<1024xi32, #tpu.memory_space<vmem>> -> memref<512xi32, #tpu.memory_space<vmem>>
    %dma_wait3A_20 = tpu.memref_slice %arg2[%add3A_4] : memref<16384xi32, #tpu.memory_space<hbm>> -> memref<512xi32, #tpu.memory_space<hbm>>
    tpu.wait_dma2 semaphore(%arg11 : memref<!tpu.dma_semaphore, #tpu.memory_space<semaphore_mem>>) src(%dma_wait3A_20 : memref<512xi32, #tpu.memory_space<hbm>>) dst(%dma_wait3A_19 : memref<512xi32, #tpu.memory_space<vmem>>)
    %dma_wait3A_21 = arith.constant 512 : i32
    %dma_wait3A_22 = tpu.memref_slice %arg7[%dma_wait3A_21] : memref<1024xi32, #tpu.memory_space<vmem>> -> memref<512xi32, #tpu.memory_space<vmem>>
    %dma_wait3A_23 = tpu.memref_slice %arg3[%add3A_4] : memref<16384xi32, #tpu.memory_space<hbm>> -> memref<512xi32, #tpu.memory_space<hbm>>
    %dma_wait3A_24 = arith.constant 512 : i32
    %dma_wait3A_25 = tpu.memref_slice %arg7[%dma_wait3A_24] : memref<1024xi32, #tpu.memory_space<vmem>> -> memref<512xi32, #tpu.memory_space<vmem>>
    %dma_wait3A_26 = tpu.memref_slice %arg3[%add3A_4] : memref<16384xi32, #tpu.memory_space<hbm>> -> memref<512xi32, #tpu.memory_space<hbm>>
    tpu.wait_dma2 semaphore(%arg11 : memref<!tpu.dma_semaphore, #tpu.memory_space<semaphore_mem>>) src(%dma_wait3A_26 : memref<512xi32, #tpu.memory_space<hbm>>) dst(%dma_wait3A_25 : memref<512xi32, #tpu.memory_space<vmem>>)
    %mul3A_27 = arith.constant 512 : i32
    %mul3A_28 = arith.muli %add3A, %mul3A_27 : i32
    %add3A_29 = arith.constant 0 : i32
    %add3A_30 = arith.addi %mul3A_28, %add3A_29 : i32
    %mul3A_31 = arith.constant 512 : i32
    %mul3A_32 = arith.muli %add3A, %mul3A_31 : i32
    %add3A_33 = arith.constant 128 : i32
    %add3A_34 = arith.addi %mul3A_32, %add3A_33 : i32
    %mul3A_35 = arith.constant 512 : i32
    %mul3A_36 = arith.muli %add3A, %mul3A_35 : i32
    %add3A_37 = arith.constant 256 : i32
    %add3A_38 = arith.addi %mul3A_36, %add3A_37 : i32
    %mul3A_39 = arith.constant 512 : i32
    %mul3A_40 = arith.muli %add3A, %mul3A_39 : i32
    %add3A_41 = arith.constant 384 : i32
    %add3A_42 = arith.addi %mul3A_40, %add3A_41 : i32
    %mul3A_43 = arith.constant 512 : i32
    %mul3A_44 = arith.muli %add3A, %mul3A_43 : i32
    %add3A_45 = arith.constant 0 : i32
    %add3A_46 = arith.addi %mul3A_44, %add3A_45 : i32
    %mul3A_47 = arith.constant 512 : i32
    %mul3A_48 = arith.muli %add3A, %mul3A_47 : i32
    %add3A_49 = arith.constant 128 : i32
    %add3A_50 = arith.addi %mul3A_48, %add3A_49 : i32
    %mul3A_51 = arith.constant 512 : i32
    %mul3A_52 = arith.muli %add3A, %mul3A_51 : i32
    %add3A_53 = arith.constant 256 : i32
    %add3A_54 = arith.addi %mul3A_52, %add3A_53 : i32
    %mul3A_55 = arith.constant 512 : i32
    %mul3A_56 = arith.muli %add3A, %mul3A_55 : i32
    %add3A_57 = arith.constant 384 : i32
    %add3A_58 = arith.addi %mul3A_56, %add3A_57 : i32
    %dma_start3A_59 = arith.constant 0 : i32
    %dma_start3A_60 = tpu.memref_slice %arg7[%dma_start3A_59] : memref<1024xi32, #tpu.memory_space<vmem>> -> memref<128xi32, #tpu.memory_space<vmem>>
    %dma_start3A_61 = arith.constant 0 : i32
    %dma_start3A_62 = arith.constant 0 : i32
    %dma_start3A_63 = tpu.memref_slice %arg4[%dma_start3A_61, %dma_start3A_62] : memref<100000x256xf32, #tpu.memory_space<hbm>> -> memref<100000x256xf32, #tpu.memory_space<hbm>>
    tpu.enqueue_indirect_dma source(%dma_start3A_63 : memref<100000x256xf32, #tpu.memory_space<hbm>>) target(%arg8 : memref<128x256xf32, #tpu.memory_space<vmem>>) offsets(%dma_start3A_60 : memref<128xi32, #tpu.memory_space<vmem>>) semaphore(%arg12 : memref<!tpu.dma_semaphore, #tpu.memory_space<semaphore_mem>>)
    %dma_start3A_64 = arith.constant 128 : i32
    %dma_start3A_65 = tpu.memref_slice %arg7[%dma_start3A_64] : memref<1024xi32, #tpu.memory_space<vmem>> -> memref<128xi32, #tpu.memory_space<vmem>>
    %dma_start3A_66 = arith.constant 0 : i32
    %dma_start3A_67 = arith.constant 0 : i32
    %dma_start3A_68 = tpu.memref_slice %arg4[%dma_start3A_66, %dma_start3A_67] : memref<100000x256xf32, #tpu.memory_space<hbm>> -> memref<100000x256xf32, #tpu.memory_space<hbm>>
    tpu.enqueue_indirect_dma source(%dma_start3A_68 : memref<100000x256xf32, #tpu.memory_space<hbm>>) target(%arg9 : memref<128x256xf32, #tpu.memory_space<vmem>>) offsets(%dma_start3A_65 : memref<128xi32, #tpu.memory_space<vmem>>) semaphore(%arg13 : memref<!tpu.dma_semaphore, #tpu.memory_space<semaphore_mem>>)
    %dma_start3A_69 = arith.constant 256 : i32
    %dma_start3A_70 = tpu.memref_slice %arg7[%dma_start3A_69] : memref<1024xi32, #tpu.memory_space<vmem>> -> memref<128xi32, #tpu.memory_space<vmem>>
    %dma_start3A_71 = arith.constant 0 : i32
    %dma_start3A_72 = arith.constant 0 : i32
    %dma_start3A_73 = tpu.memref_slice %arg4[%dma_start3A_71, %dma_start3A_72] : memref<100000x256xf32, #tpu.memory_space<hbm>> -> memref<100000x256xf32, #tpu.memory_space<hbm>>
    tpu.enqueue_indirect_dma source(%dma_start3A_73 : memref<100000x256xf32, #tpu.memory_space<hbm>>) target(%arg10 : memref<128x256xf32, #tpu.memory_space<vmem>>) offsets(%dma_start3A_70 : memref<128xi32, #tpu.memory_space<vmem>>) semaphore(%arg14 : memref<!tpu.dma_semaphore, #tpu.memory_space<semaphore_mem>>)
    %dma_wait3A_74 = arith.constant 0 : i32
    %dma_wait3A_75 = tpu.memref_slice %arg7[%dma_wait3A_74] : memref<1024xi32, #tpu.memory_space<vmem>> -> memref<128xi32, #tpu.memory_space<vmem>>
    %dma_wait3A_76 = arith.constant 0 : i32
    %dma_wait3A_77 = arith.constant 0 : i32
    %dma_wait3A_78 = tpu.memref_slice %arg4[%dma_wait3A_76, %dma_wait3A_77] : memref<100000x256xf32, #tpu.memory_space<hbm>> -> memref<100000x256xf32, #tpu.memory_space<hbm>>
    tpu.wait_indirect_dma semaphore(%arg12 : memref<!tpu.dma_semaphore, #tpu.memory_space<semaphore_mem>>) src(%dma_wait3A_78 : memref<100000x256xf32, #tpu.memory_space<hbm>>) dst(%arg8 : memref<128x256xf32, #tpu.memory_space<vmem>>)
    %dma_start3A_79 = arith.constant 0 : i32
    %dma_start3A_80 = tpu.memref_slice %arg5[%add3A_30, %dma_start3A_79] : memref<16384x256xf32, #tpu.memory_space<hbm>> -> memref<128x256xf32, #tpu.memory_space<hbm>>
    %dma_start3A_81 = arith.constant 0 : i32
    %dma_start3A_82 = tpu.memref_slice %arg5[%add3A_30, %dma_start3A_81] : memref<16384x256xf32, #tpu.memory_space<hbm>> -> memref<128x256xf32, #tpu.memory_space<hbm>>
    tpu.enqueue_dma source(%arg8 : memref<128x256xf32, #tpu.memory_space<vmem>>) target(%dma_start3A_82 : memref<128x256xf32, #tpu.memory_space<hbm>>) target_semaphore(%arg15 : memref<!tpu.dma_semaphore, #tpu.memory_space<semaphore_mem>>)
    %dma_wait3A_83 = arith.constant 0 : i32
    %dma_wait3A_84 = tpu.memref_slice %arg5[%add3A_30, %dma_wait3A_83] : memref<16384x256xf32, #tpu.memory_space<hbm>> -> memref<128x256xf32, #tpu.memory_space<hbm>>
    %dma_wait3A_85 = arith.constant 0 : i32
    %dma_wait3A_86 = tpu.memref_slice %arg5[%add3A_30, %dma_wait3A_85] : memref<16384x256xf32, #tpu.memory_space<hbm>> -> memref<128x256xf32, #tpu.memory_space<hbm>>
    tpu.wait_dma2 semaphore(%arg15 : memref<!tpu.dma_semaphore, #tpu.memory_space<semaphore_mem>>) src(%arg8 : memref<128x256xf32, #tpu.memory_space<vmem>>) dst(%dma_wait3A_86 : memref<128x256xf32, #tpu.memory_space<hbm>>)
    %dma_start3A_87 = arith.constant 384 : i32
    %dma_start3A_88 = tpu.memref_slice %arg7[%dma_start3A_87] : memref<1024xi32, #tpu.memory_space<vmem>> -> memref<128xi32, #tpu.memory_space<vmem>>
    %dma_start3A_89 = arith.constant 0 : i32
    %dma_start3A_90 = arith.constant 0 : i32
    %dma_start3A_91 = tpu.memref_slice %arg4[%dma_start3A_89, %dma_start3A_90] : memref<100000x256xf32, #tpu.memory_space<hbm>> -> memref<100000x256xf32, #tpu.memory_space<hbm>>
    tpu.enqueue_indirect_dma source(%dma_start3A_91 : memref<100000x256xf32, #tpu.memory_space<hbm>>) target(%arg8 : memref<128x256xf32, #tpu.memory_space<vmem>>) offsets(%dma_start3A_88 : memref<128xi32, #tpu.memory_space<vmem>>) semaphore(%arg12 : memref<!tpu.dma_semaphore, #tpu.memory_space<semaphore_mem>>)
    %dma_wait3A_92 = arith.constant 128 : i32
    %dma_wait3A_93 = tpu.memref_slice %arg7[%dma_wait3A_92] : memref<1024xi32, #tpu.memory_space<vmem>> -> memref<128xi32, #tpu.memory_space<vmem>>
    %dma_wait3A_94 = arith.constant 0 : i32
    %dma_wait3A_95 = arith.constant 0 : i32
    %dma_wait3A_96 = tpu.memref_slice %arg4[%dma_wait3A_94, %dma_wait3A_95] : memref<100000x256xf32, #tpu.memory_space<hbm>> -> memref<100000x256xf32, #tpu.memory_space<hbm>>
    tpu.wait_indirect_dma semaphore(%arg13 : memref<!tpu.dma_semaphore, #tpu.memory_space<semaphore_mem>>) src(%dma_wait3A_96 : memref<100000x256xf32, #tpu.memory_space<hbm>>) dst(%arg9 : memref<128x256xf32, #tpu.memory_space<vmem>>)
    %dma_start3A_97 = arith.constant 0 : i32
    %dma_start3A_98 = tpu.memref_slice %arg5[%add3A_34, %dma_start3A_97] : memref<16384x256xf32, #tpu.memory_space<hbm>> -> memref<128x256xf32, #tpu.memory_space<hbm>>
    %dma_start3A_99 = arith.constant 0 : i32
    %dma_start3A_100 = tpu.memref_slice %arg5[%add3A_34, %dma_start3A_99] : memref<16384x256xf32, #tpu.memory_space<hbm>> -> memref<128x256xf32, #tpu.memory_space<hbm>>
    tpu.enqueue_dma source(%arg9 : memref<128x256xf32, #tpu.memory_space<vmem>>) target(%dma_start3A_100 : memref<128x256xf32, #tpu.memory_space<hbm>>) target_semaphore(%arg16 : memref<!tpu.dma_semaphore, #tpu.memory_space<semaphore_mem>>)
    %dma_wait3A_101 = arith.constant 0 : i32
    %dma_wait3A_102 = tpu.memref_slice %arg5[%add3A_34, %dma_wait3A_101] : memref<16384x256xf32, #tpu.memory_space<hbm>> -> memref<128x256xf32, #tpu.memory_space<hbm>>
    %dma_wait3A_103 = arith.constant 0 : i32
    %dma_wait3A_104 = tpu.memref_slice %arg5[%add3A_34, %dma_wait3A_103] : memref<16384x256xf32, #tpu.memory_space<hbm>> -> memref<128x256xf32, #tpu.memory_space<hbm>>
    tpu.wait_dma2 semaphore(%arg16 : memref<!tpu.dma_semaphore, #tpu.memory_space<semaphore_mem>>) src(%arg9 : memref<128x256xf32, #tpu.memory_space<vmem>>) dst(%dma_wait3A_104 : memref<128x256xf32, #tpu.memory_space<hbm>>)
    %dma_start3A_105 = arith.constant 512 : i32
    %dma_start3A_106 = tpu.memref_slice %arg7[%dma_start3A_105] : memref<1024xi32, #tpu.memory_space<vmem>> -> memref<128xi32, #tpu.memory_space<vmem>>
    %dma_start3A_107 = arith.constant 0 : i32
    %dma_start3A_108 = arith.constant 0 : i32
    %dma_start3A_109 = tpu.memref_slice %arg4[%dma_start3A_107, %dma_start3A_108] : memref<100000x256xf32, #tpu.memory_space<hbm>> -> memref<100000x256xf32, #tpu.memory_space<hbm>>
    tpu.enqueue_indirect_dma source(%dma_start3A_109 : memref<100000x256xf32, #tpu.memory_space<hbm>>) target(%arg9 : memref<128x256xf32, #tpu.memory_space<vmem>>) offsets(%dma_start3A_106 : memref<128xi32, #tpu.memory_space<vmem>>) semaphore(%arg13 : memref<!tpu.dma_semaphore, #tpu.memory_space<semaphore_mem>>)
    %dma_wait3A_110 = arith.constant 256 : i32
    %dma_wait3A_111 = tpu.memref_slice %arg7[%dma_wait3A_110] : memref<1024xi32, #tpu.memory_space<vmem>> -> memref<128xi32, #tpu.memory_space<vmem>>
    %dma_wait3A_112 = arith.constant 0 : i32
    %dma_wait3A_113 = arith.constant 0 : i32
    %dma_wait3A_114 = tpu.memref_slice %arg4[%dma_wait3A_112, %dma_wait3A_113] : memref<100000x256xf32, #tpu.memory_space<hbm>> -> memref<100000x256xf32, #tpu.memory_space<hbm>>
    tpu.wait_indirect_dma semaphore(%arg14 : memref<!tpu.dma_semaphore, #tpu.memory_space<semaphore_mem>>) src(%dma_wait3A_114 : memref<100000x256xf32, #tpu.memory_space<hbm>>) dst(%arg10 : memref<128x256xf32, #tpu.memory_space<vmem>>)
    %dma_start3A_115 = arith.constant 0 : i32
    %dma_start3A_116 = tpu.memref_slice %arg5[%add3A_38, %dma_start3A_115] : memref<16384x256xf32, #tpu.memory_space<hbm>> -> memref<128x256xf32, #tpu.memory_space<hbm>>
    %dma_start3A_117 = arith.constant 0 : i32
    %dma_start3A_118 = tpu.memref_slice %arg5[%add3A_38, %dma_start3A_117] : memref<16384x256xf32, #tpu.memory_space<hbm>> -> memref<128x256xf32, #tpu.memory_space<hbm>>
    tpu.enqueue_dma source(%arg10 : memref<128x256xf32, #tpu.memory_space<vmem>>) target(%dma_start3A_118 : memref<128x256xf32, #tpu.memory_space<hbm>>) target_semaphore(%arg17 : memref<!tpu.dma_semaphore, #tpu.memory_space<semaphore_mem>>)
    %dma_wait3A_119 = arith.constant 0 : i32
    %dma_wait3A_120 = tpu.memref_slice %arg5[%add3A_38, %dma_wait3A_119] : memref<16384x256xf32, #tpu.memory_space<hbm>> -> memref<128x256xf32, #tpu.memory_space<hbm>>
    %dma_wait3A_121 = arith.constant 0 : i32
    %dma_wait3A_122 = tpu.memref_slice %arg5[%add3A_38, %dma_wait3A_121] : memref<16384x256xf32, #tpu.memory_space<hbm>> -> memref<128x256xf32, #tpu.memory_space<hbm>>
    tpu.wait_dma2 semaphore(%arg17 : memref<!tpu.dma_semaphore, #tpu.memory_space<semaphore_mem>>) src(%arg10 : memref<128x256xf32, #tpu.memory_space<vmem>>) dst(%dma_wait3A_122 : memref<128x256xf32, #tpu.memory_space<hbm>>)
    %dma_start3A_123 = arith.constant 640 : i32
    %dma_start3A_124 = tpu.memref_slice %arg7[%dma_start3A_123] : memref<1024xi32, #tpu.memory_space<vmem>> -> memref<128xi32, #tpu.memory_space<vmem>>
    %dma_start3A_125 = arith.constant 0 : i32
    %dma_start3A_126 = arith.constant 0 : i32
    %dma_start3A_127 = tpu.memref_slice %arg4[%dma_start3A_125, %dma_start3A_126] : memref<100000x256xf32, #tpu.memory_space<hbm>> -> memref<100000x256xf32, #tpu.memory_space<hbm>>
    tpu.enqueue_indirect_dma source(%dma_start3A_127 : memref<100000x256xf32, #tpu.memory_space<hbm>>) target(%arg10 : memref<128x256xf32, #tpu.memory_space<vmem>>) offsets(%dma_start3A_124 : memref<128xi32, #tpu.memory_space<vmem>>) semaphore(%arg14 : memref<!tpu.dma_semaphore, #tpu.memory_space<semaphore_mem>>)
    %dma_wait3A_128 = arith.constant 384 : i32
    %dma_wait3A_129 = tpu.memref_slice %arg7[%dma_wait3A_128] : memref<1024xi32, #tpu.memory_space<vmem>> -> memref<128xi32, #tpu.memory_space<vmem>>
    %dma_wait3A_130 = arith.constant 0 : i32
    %dma_wait3A_131 = arith.constant 0 : i32
    %dma_wait3A_132 = tpu.memref_slice %arg4[%dma_wait3A_130, %dma_wait3A_131] : memref<100000x256xf32, #tpu.memory_space<hbm>> -> memref<100000x256xf32, #tpu.memory_space<hbm>>
    tpu.wait_indirect_dma semaphore(%arg12 : memref<!tpu.dma_semaphore, #tpu.memory_space<semaphore_mem>>) src(%dma_wait3A_132 : memref<100000x256xf32, #tpu.memory_space<hbm>>) dst(%arg8 : memref<128x256xf32, #tpu.memory_space<vmem>>)
    %dma_start3A_133 = arith.constant 0 : i32
    %dma_start3A_134 = tpu.memref_slice %arg5[%add3A_42, %dma_start3A_133] : memref<16384x256xf32, #tpu.memory_space<hbm>> -> memref<128x256xf32, #tpu.memory_space<hbm>>
    %dma_start3A_135 = arith.constant 0 : i32
    %dma_start3A_136 = tpu.memref_slice %arg5[%add3A_42, %dma_start3A_135] : memref<16384x256xf32, #tpu.memory_space<hbm>> -> memref<128x256xf32, #tpu.memory_space<hbm>>
    tpu.enqueue_dma source(%arg8 : memref<128x256xf32, #tpu.memory_space<vmem>>) target(%dma_start3A_136 : memref<128x256xf32, #tpu.memory_space<hbm>>) target_semaphore(%arg15 : memref<!tpu.dma_semaphore, #tpu.memory_space<semaphore_mem>>)
    %dma_wait3A_137 = arith.constant 0 : i32
    %dma_wait3A_138 = tpu.memref_slice %arg5[%add3A_42, %dma_wait3A_137] : memref<16384x256xf32, #tpu.memory_space<hbm>> -> memref<128x256xf32, #tpu.memory_space<hbm>>
    %dma_wait3A_139 = arith.constant 0 : i32
    %dma_wait3A_140 = tpu.memref_slice %arg5[%add3A_42, %dma_wait3A_139] : memref<16384x256xf32, #tpu.memory_space<hbm>> -> memref<128x256xf32, #tpu.memory_space<hbm>>
    tpu.wait_dma2 semaphore(%arg15 : memref<!tpu.dma_semaphore, #tpu.memory_space<semaphore_mem>>) src(%arg8 : memref<128x256xf32, #tpu.memory_space<vmem>>) dst(%dma_wait3A_140 : memref<128x256xf32, #tpu.memory_space<hbm>>)
    %dma_start3A_141 = arith.constant 768 : i32
    %dma_start3A_142 = tpu.memref_slice %arg7[%dma_start3A_141] : memref<1024xi32, #tpu.memory_space<vmem>> -> memref<128xi32, #tpu.memory_space<vmem>>
    %dma_start3A_143 = arith.constant 0 : i32
    %dma_start3A_144 = arith.constant 0 : i32
    %dma_start3A_145 = tpu.memref_slice %arg4[%dma_start3A_143, %dma_start3A_144] : memref<100000x256xf32, #tpu.memory_space<hbm>> -> memref<100000x256xf32, #tpu.memory_space<hbm>>
    tpu.enqueue_indirect_dma source(%dma_start3A_145 : memref<100000x256xf32, #tpu.memory_space<hbm>>) target(%arg8 : memref<128x256xf32, #tpu.memory_space<vmem>>) offsets(%dma_start3A_142 : memref<128xi32, #tpu.memory_space<vmem>>) semaphore(%arg12 : memref<!tpu.dma_semaphore, #tpu.memory_space<semaphore_mem>>)
    %dma_wait3A_146 = arith.constant 512 : i32
    %dma_wait3A_147 = tpu.memref_slice %arg7[%dma_wait3A_146] : memref<1024xi32, #tpu.memory_space<vmem>> -> memref<128xi32, #tpu.memory_space<vmem>>
    %dma_wait3A_148 = arith.constant 0 : i32
    %dma_wait3A_149 = arith.constant 0 : i32
    %dma_wait3A_150 = tpu.memref_slice %arg4[%dma_wait3A_148, %dma_wait3A_149] : memref<100000x256xf32, #tpu.memory_space<hbm>> -> memref<100000x256xf32, #tpu.memory_space<hbm>>
    tpu.wait_indirect_dma semaphore(%arg13 : memref<!tpu.dma_semaphore, #tpu.memory_space<semaphore_mem>>) src(%dma_wait3A_150 : memref<100000x256xf32, #tpu.memory_space<hbm>>) dst(%arg9 : memref<128x256xf32, #tpu.memory_space<vmem>>)
    %dma_start3A_151 = arith.constant 0 : i32
    %dma_start3A_152 = tpu.memref_slice %arg6[%add3A_46, %dma_start3A_151] : memref<16384x256xf32, #tpu.memory_space<hbm>> -> memref<128x256xf32, #tpu.memory_space<hbm>>
    %dma_start3A_153 = arith.constant 0 : i32
    %dma_start3A_154 = tpu.memref_slice %arg6[%add3A_46, %dma_start3A_153] : memref<16384x256xf32, #tpu.memory_space<hbm>> -> memref<128x256xf32, #tpu.memory_space<hbm>>
    tpu.enqueue_dma source(%arg9 : memref<128x256xf32, #tpu.memory_space<vmem>>) target(%dma_start3A_154 : memref<128x256xf32, #tpu.memory_space<hbm>>) target_semaphore(%arg16 : memref<!tpu.dma_semaphore, #tpu.memory_space<semaphore_mem>>)
    %dma_wait3A_155 = arith.constant 0 : i32
    %dma_wait3A_156 = tpu.memref_slice %arg6[%add3A_46, %dma_wait3A_155] : memref<16384x256xf32, #tpu.memory_space<hbm>> -> memref<128x256xf32, #tpu.memory_space<hbm>>
    %dma_wait3A_157 = arith.constant 0 : i32
    %dma_wait3A_158 = tpu.memref_slice %arg6[%add3A_46, %dma_wait3A_157] : memref<16384x256xf32, #tpu.memory_space<hbm>> -> memref<128x256xf32, #tpu.memory_space<hbm>>
    tpu.wait_dma2 semaphore(%arg16 : memref<!tpu.dma_semaphore, #tpu.memory_space<semaphore_mem>>) src(%arg9 : memref<128x256xf32, #tpu.memory_space<vmem>>) dst(%dma_wait3A_158 : memref<128x256xf32, #tpu.memory_space<hbm>>)
    %dma_start3A_159 = arith.constant 896 : i32
    %dma_start3A_160 = tpu.memref_slice %arg7[%dma_start3A_159] : memref<1024xi32, #tpu.memory_space<vmem>> -> memref<128xi32, #tpu.memory_space<vmem>>
    %dma_start3A_161 = arith.constant 0 : i32
    %dma_start3A_162 = arith.constant 0 : i32
    %dma_start3A_163 = tpu.memref_slice %arg4[%dma_start3A_161, %dma_start3A_162] : memref<100000x256xf32, #tpu.memory_space<hbm>> -> memref<100000x256xf32, #tpu.memory_space<hbm>>
    tpu.enqueue_indirect_dma source(%dma_start3A_163 : memref<100000x256xf32, #tpu.memory_space<hbm>>) target(%arg9 : memref<128x256xf32, #tpu.memory_space<vmem>>) offsets(%dma_start3A_160 : memref<128xi32, #tpu.memory_space<vmem>>) semaphore(%arg13 : memref<!tpu.dma_semaphore, #tpu.memory_space<semaphore_mem>>)
    %dma_wait3A_164 = arith.constant 640 : i32
    %dma_wait3A_165 = tpu.memref_slice %arg7[%dma_wait3A_164] : memref<1024xi32, #tpu.memory_space<vmem>> -> memref<128xi32, #tpu.memory_space<vmem>>
    %dma_wait3A_166 = arith.constant 0 : i32
    %dma_wait3A_167 = arith.constant 0 : i32
    %dma_wait3A_168 = tpu.memref_slice %arg4[%dma_wait3A_166, %dma_wait3A_167] : memref<100000x256xf32, #tpu.memory_space<hbm>> -> memref<100000x256xf32, #tpu.memory_space<hbm>>
    tpu.wait_indirect_dma semaphore(%arg14 : memref<!tpu.dma_semaphore, #tpu.memory_space<semaphore_mem>>) src(%dma_wait3A_168 : memref<100000x256xf32, #tpu.memory_space<hbm>>) dst(%arg10 : memref<128x256xf32, #tpu.memory_space<vmem>>)
    %dma_start3A_169 = arith.constant 0 : i32
    %dma_start3A_170 = tpu.memref_slice %arg6[%add3A_50, %dma_start3A_169] : memref<16384x256xf32, #tpu.memory_space<hbm>> -> memref<128x256xf32, #tpu.memory_space<hbm>>
    %dma_start3A_171 = arith.constant 0 : i32
    %dma_start3A_172 = tpu.memref_slice %arg6[%add3A_50, %dma_start3A_171] : memref<16384x256xf32, #tpu.memory_space<hbm>> -> memref<128x256xf32, #tpu.memory_space<hbm>>
    tpu.enqueue_dma source(%arg10 : memref<128x256xf32, #tpu.memory_space<vmem>>) target(%dma_start3A_172 : memref<128x256xf32, #tpu.memory_space<hbm>>) target_semaphore(%arg17 : memref<!tpu.dma_semaphore, #tpu.memory_space<semaphore_mem>>)
    %dma_wait3A_173 = arith.constant 768 : i32
    %dma_wait3A_174 = tpu.memref_slice %arg7[%dma_wait3A_173] : memref<1024xi32, #tpu.memory_space<vmem>> -> memref<128xi32, #tpu.memory_space<vmem>>
    %dma_wait3A_175 = arith.constant 0 : i32
    %dma_wait3A_176 = arith.constant 0 : i32
    %dma_wait3A_177 = tpu.memref_slice %arg4[%dma_wait3A_175, %dma_wait3A_176] : memref<100000x256xf32, #tpu.memory_space<hbm>> -> memref<100000x256xf32, #tpu.memory_space<hbm>>
    tpu.wait_indirect_dma semaphore(%arg12 : memref<!tpu.dma_semaphore, #tpu.memory_space<semaphore_mem>>) src(%dma_wait3A_177 : memref<100000x256xf32, #tpu.memory_space<hbm>>) dst(%arg8 : memref<128x256xf32, #tpu.memory_space<vmem>>)
    %dma_start3A_178 = arith.constant 0 : i32
    %dma_start3A_179 = tpu.memref_slice %arg6[%add3A_54, %dma_start3A_178] : memref<16384x256xf32, #tpu.memory_space<hbm>> -> memref<128x256xf32, #tpu.memory_space<hbm>>
    %dma_start3A_180 = arith.constant 0 : i32
    %dma_start3A_181 = tpu.memref_slice %arg6[%add3A_54, %dma_start3A_180] : memref<16384x256xf32, #tpu.memory_space<hbm>> -> memref<128x256xf32, #tpu.memory_space<hbm>>
    tpu.enqueue_dma source(%arg8 : memref<128x256xf32, #tpu.memory_space<vmem>>) target(%dma_start3A_181 : memref<128x256xf32, #tpu.memory_space<hbm>>) target_semaphore(%arg15 : memref<!tpu.dma_semaphore, #tpu.memory_space<semaphore_mem>>)
    %dma_wait3A_182 = arith.constant 896 : i32
    %dma_wait3A_183 = tpu.memref_slice %arg7[%dma_wait3A_182] : memref<1024xi32, #tpu.memory_space<vmem>> -> memref<128xi32, #tpu.memory_space<vmem>>
    %dma_wait3A_184 = arith.constant 0 : i32
    %dma_wait3A_185 = arith.constant 0 : i32
    %dma_wait3A_186 = tpu.memref_slice %arg4[%dma_wait3A_184, %dma_wait3A_185] : memref<100000x256xf32, #tpu.memory_space<hbm>> -> memref<100000x256xf32, #tpu.memory_space<hbm>>
    tpu.wait_indirect_dma semaphore(%arg13 : memref<!tpu.dma_semaphore, #tpu.memory_space<semaphore_mem>>) src(%dma_wait3A_186 : memref<100000x256xf32, #tpu.memory_space<hbm>>) dst(%arg9 : memref<128x256xf32, #tpu.memory_space<vmem>>)
    %dma_start3A_187 = arith.constant 0 : i32
    %dma_start3A_188 = tpu.memref_slice %arg6[%add3A_58, %dma_start3A_187] : memref<16384x256xf32, #tpu.memory_space<hbm>> -> memref<128x256xf32, #tpu.memory_space<hbm>>
    %dma_start3A_189 = arith.constant 0 : i32
    %dma_start3A_190 = tpu.memref_slice %arg6[%add3A_58, %dma_start3A_189] : memref<16384x256xf32, #tpu.memory_space<hbm>> -> memref<128x256xf32, #tpu.memory_space<hbm>>
    tpu.enqueue_dma source(%arg9 : memref<128x256xf32, #tpu.memory_space<vmem>>) target(%dma_start3A_190 : memref<128x256xf32, #tpu.memory_space<hbm>>) target_semaphore(%arg16 : memref<!tpu.dma_semaphore, #tpu.memory_space<semaphore_mem>>)
    %dma_wait3A_191 = arith.constant 0 : i32
    %dma_wait3A_192 = tpu.memref_slice %arg6[%add3A_50, %dma_wait3A_191] : memref<16384x256xf32, #tpu.memory_space<hbm>> -> memref<128x256xf32, #tpu.memory_space<hbm>>
    %dma_wait3A_193 = arith.constant 0 : i32
    %dma_wait3A_194 = tpu.memref_slice %arg6[%add3A_50, %dma_wait3A_193] : memref<16384x256xf32, #tpu.memory_space<hbm>> -> memref<128x256xf32, #tpu.memory_space<hbm>>
    tpu.wait_dma2 semaphore(%arg17 : memref<!tpu.dma_semaphore, #tpu.memory_space<semaphore_mem>>) src(%arg10 : memref<128x256xf32, #tpu.memory_space<vmem>>) dst(%dma_wait3A_194 : memref<128x256xf32, #tpu.memory_space<hbm>>)
    %dma_wait3A_195 = arith.constant 0 : i32
    %dma_wait3A_196 = tpu.memref_slice %arg6[%add3A_54, %dma_wait3A_195] : memref<16384x256xf32, #tpu.memory_space<hbm>> -> memref<128x256xf32, #tpu.memory_space<hbm>>
    %dma_wait3A_197 = arith.constant 0 : i32
    %dma_wait3A_198 = tpu.memref_slice %arg6[%add3A_54, %dma_wait3A_197] : memref<16384x256xf32, #tpu.memory_space<hbm>> -> memref<128x256xf32, #tpu.memory_space<hbm>>
    tpu.wait_dma2 semaphore(%arg15 : memref<!tpu.dma_semaphore, #tpu.memory_space<semaphore_mem>>) src(%arg8 : memref<128x256xf32, #tpu.memory_space<vmem>>) dst(%dma_wait3A_198 : memref<128x256xf32, #tpu.memory_space<hbm>>)
    %dma_wait3A_199 = arith.constant 0 : i32
    %dma_wait3A_200 = tpu.memref_slice %arg6[%add3A_58, %dma_wait3A_199] : memref<16384x256xf32, #tpu.memory_space<hbm>> -> memref<128x256xf32, #tpu.memory_space<hbm>>
    %dma_wait3A_201 = arith.constant 0 : i32
    %dma_wait3A_202 = tpu.memref_slice %arg6[%add3A_58, %dma_wait3A_201] : memref<16384x256xf32, #tpu.memory_space<hbm>> -> memref<128x256xf32, #tpu.memory_space<hbm>>
    tpu.wait_dma2 semaphore(%arg16 : memref<!tpu.dma_semaphore, #tpu.memory_space<semaphore_mem>>) src(%arg9 : memref<128x256xf32, #tpu.memory_space<vmem>>) dst(%dma_wait3A_202 : memref<128x256xf32, #tpu.memory_space<hbm>>)
    return
  }
}

module attributes {stable_mosaic.version = 14 : i64} {
  func.func @_mlp_body(%arg0: i32, %arg1: memref<4096x256xf32, #tpu.memory_space<vmem>>, %arg2: memref<4096x256xf32, #tpu.memory_space<vmem>>, %arg3: memref<512x256xf32, #tpu.memory_space<vmem>>, %arg4: memref<1x256xf32, #tpu.memory_space<vmem>>, %arg5: memref<256x1xf32, #tpu.memory_space<vmem>>, %arg6: memref<1x1xf32, #tpu.memory_space<vmem>>, %arg7: memref<4096xf32, #tpu.memory_space<vmem>>) attributes {dimension_semantics = [#tpu.dimension_semantics<arbitrary>], iteration_bounds = array<i64: 4>, scalar_prefetch = 0 : i64, scratch_operands = 0 : i64, tpu.core_type = #tpu.core_type<tc>, window_params = [{transform_indices = @transform_0, window_bounds = array<i64: 4096, 256>}, {transform_indices = @transform_1, window_bounds = array<i64: 4096, 256>}, {pipeline_mode = #tpu.pipeline_mode<synchronous>, transform_indices = @transform_2, window_bounds = array<i64: 512, 256>}, {pipeline_mode = #tpu.pipeline_mode<synchronous>, transform_indices = @transform_3, window_bounds = array<i64: 1, 256>}, {pipeline_mode = #tpu.pipeline_mode<synchronous>, transform_indices = @transform_4, window_bounds = array<i64: 256, 1>}, {pipeline_mode = #tpu.pipeline_mode<synchronous>, transform_indices = @transform_5, window_bounds = array<i64: 1, 1>}, {transform_indices = @transform_6, window_bounds = array<i64: 4096>}]} {
    %get3A = arith.constant 0 : index
    %get3A_0 = arith.constant 0 : index
    %get3A_1 = vector.load %arg1[%get3A, %get3A_0] : memref<4096x256xf32, #tpu.memory_space<vmem>>, vector<4096x256xf32>
    %get3A_2 = arith.constant 0 : index
    %get3A_3 = arith.constant 0 : index
    %get3A_4 = vector.load %arg2[%get3A_2, %get3A_3] : memref<4096x256xf32, #tpu.memory_space<vmem>>, vector<4096x256xf32>
    %get3A_5 = arith.constant 0 : index
    %get3A_6 = arith.constant 0 : index
    %get3A_7 = vector.load %arg3[%get3A_5, %get3A_6] : memref<512x256xf32, #tpu.memory_space<vmem>>, vector<256x256xf32>
    %get3A_8 = arith.constant 256 : index
    %get3A_9 = arith.constant 0 : index
    %get3A_10 = vector.load %arg3[%get3A_8, %get3A_9] : memref<512x256xf32, #tpu.memory_space<vmem>>, vector<256x256xf32>
    %dot_general3A = arith.constant dense<0.000000e+00> : vector<4096x256xf32>
    %dot_general3A_11 = tpu.matmul %get3A_1, %get3A_7, %dot_general3A {dimension_numbers = #tpu.dot_dimension_numbers<[1], [0], [0], [1], [0, 0, 1, 1], [], []>, transpose_lhs_hint = false} : vector<4096x256xf32>, vector<256x256xf32>, vector<4096x256xf32> -> vector<4096x256xf32>
    %dot_general3A_12 = arith.constant dense<0.000000e+00> : vector<4096x256xf32>
    %dot_general3A_13 = tpu.matmul %get3A_4, %get3A_10, %dot_general3A_12 {dimension_numbers = #tpu.dot_dimension_numbers<[1], [0], [0], [1], [0, 0, 1, 1], [], []>, transpose_lhs_hint = false} : vector<4096x256xf32>, vector<256x256xf32>, vector<4096x256xf32> -> vector<4096x256xf32>
    %add3A = arith.addf %dot_general3A_11, %dot_general3A_13 : vector<4096x256xf32>
    %get3A_14 = arith.constant 0 : index
    %get3A_15 = arith.constant 0 : index
    %get3A_16 = vector.load %arg4[%get3A_14, %get3A_15] : memref<1x256xf32, #tpu.memory_space<vmem>>, vector<1x256xf32>
    %add3A_17 = vector.broadcast %get3A_16 : vector<1x256xf32> to vector<4096x256xf32>
    %add3A_18 = arith.addf %add3A, %add3A_17 : vector<4096x256xf32>
    %max3A = arith.constant 0.000000e+00 : f32
    %max3A_19 = vector.broadcast %max3A : f32 to vector<4096x256xf32>
    %max3A_20 = arith.maximumf %add3A_18, %max3A_19 : vector<4096x256xf32>
    %get3A_21 = arith.constant 0 : index
    %get3A_22 = arith.constant 0 : index
    %get3A_23 = vector.load %arg5[%get3A_21, %get3A_22] : memref<256x1xf32, #tpu.memory_space<vmem>>, vector<256x1xf32>
    %dot_general3A_24 = arith.constant dense<0.000000e+00> : vector<4096x1xf32>
    %dot_general3A_25 = tpu.matmul %max3A_20, %get3A_23, %dot_general3A_24 {dimension_numbers = #tpu.dot_dimension_numbers<[1], [0], [0], [1], [0, 0, 1, 1], [], []>, transpose_lhs_hint = false} : vector<4096x256xf32>, vector<256x1xf32>, vector<4096x1xf32> -> vector<4096x1xf32>
    %squeeze3A = vector.shape_cast %dot_general3A_25 : vector<4096x1xf32> to vector<4096xf32>
    %get3A_26 = arith.constant 0 : index
    %get3A_27 = arith.constant 0 : index
    %get3A_28 = vector.load %arg6[%get3A_26, %get3A_27] : memref<1x1xf32, #tpu.memory_space<vmem>>, vector<1x1xf32>
    %get3A_29 = vector.extract %get3A_28[0, 0] : f32 from vector<1x1xf32>
    %add3A_30 = vector.broadcast %get3A_29 : f32 to vector<4096xf32>
    %add3A_31 = arith.addf %squeeze3A, %add3A_30 : vector<4096xf32>
    %swap3A = arith.constant 0 : index
    %swap3A_32 = vector.load %arg7[%swap3A] : memref<4096xf32, #tpu.memory_space<vmem>>, vector<4096xf32>
    tpu.vector_store %arg7[%swap3A], %add3A_31 {strides = array<i32>} : memref<4096xf32, #tpu.memory_space<vmem>>, vector<4096xf32>,
    return
  }
  func.func @transform_0(%arg0: i32) -> (i32, i32) {
    %c0_i32 = arith.constant 0 : i32
    %c0_i32_0 = arith.constant 0 : i32
    return %arg0, %c0_i32 : i32, i32
  }
  func.func @transform_1(%arg0: i32) -> (i32, i32) {
    %c0_i32 = arith.constant 0 : i32
    %c0_i32_0 = arith.constant 0 : i32
    return %arg0, %c0_i32 : i32, i32
  }
  func.func @transform_2(%arg0: i32) -> (i32, i32) {
    %c0_i32 = arith.constant 0 : i32
    %c0_i32_0 = arith.constant 0 : i32
    %c0_i32_1 = arith.constant 0 : i32
    return %c0_i32, %c0_i32_0 : i32, i32
  }
  func.func @transform_3(%arg0: i32) -> (i32, i32) {
    %c0_i32 = arith.constant 0 : i32
    %c0_i32_0 = arith.constant 0 : i32
    %c0_i32_1 = arith.constant 0 : i32
    return %c0_i32, %c0_i32_0 : i32, i32
  }
  func.func @transform_4(%arg0: i32) -> (i32, i32) {
    %c0_i32 = arith.constant 0 : i32
    %c0_i32_0 = arith.constant 0 : i32
    %c0_i32_1 = arith.constant 0 : i32
    return %c0_i32, %c0_i32_0 : i32, i32
  }
  func.func @transform_5(%arg0: i32) -> (i32, i32) {
    %c0_i32 = arith.constant 0 : i32
    %c0_i32_0 = arith.constant 0 : i32
    %c0_i32_1 = arith.constant 0 : i32
    return %c0_i32, %c0_i32_0 : i32, i32
  }
  func.func @transform_6(%arg0: i32) -> i32 {
    %c0_i32 = arith.constant 0 : i32
    return %arg0 : i32
  }
}

</mosaic_0001>

<sc_bundles>
// kernel: kernel.4.cloned.1.call-start
scs
__scs_entry_jumppad:
0x0: {  	(pc) =	sbr.rel $0x88, $3  }
0x1: {  	(tag) =	ssettag $0x0;
	lr =	simm.s32 $0x1  }
0x2: {  	[smem:$0x3F9A] =	sst lr;
	_ =	strace $0xD0000000  }
0x3: {  	_ = 	snop  }
0x4: {  	_ = 	snop  }
0x5: {  	_ = 	snop  }
0x6: {  	_ = 	snop  }
0x7: {  	_ = 	snop  }
__scs_overlays_trampoline_lowered:
0x8: {  	[smem:$0x3FA9] =	sst s0  }
0x9: {  	[smem:$0x3FAA] =	sst s1  }
0xa: {  	[smem:$0x3FAB] =	sst s2  }
0xb: {  	[smem:$0x3FAC] =	sst s3  }
0xc: {  	[smem:$0x3FAD] =	sst s4  }
0xd: {  	[smem:$0x3FAE] =	sst s5  }
0xe: {  	[smem:$0x3FAF] =	sst s6  }
0xf: {  	[smem:$0x3FB0] =	sst s7  }
0x10: {  	[smem:$0x3FB1] =	sst s8  }
0x11: {  	[smem:$0x3FB2] =	sst s9;
	s0 =	simm.s32 @!p0 $0x0  }
0x12: {  	s1 =	sld [smem:$0x3F98];
	s0 =	simm.s32 @p0 $0x1  }
0x13: {  	[smem:$0x3FB3] =	sst s0;
	s0 =	simm.s32 @!p1 $0x0  }
0x14: {  	s2 =	sld [smem:$0x3F97];
	s0 =	simm.s32 @p1 $0x1  }
0x15: {  	[smem:$0x3FB4] =	sst s0;
	s0 =	simm.s32 @!p2 $0x0  }
0x16: {  	s3 =	sld [smem:$0x3FDB];
	s0 =	simm.s32 @p2 $0x1  }
0x17: {  	s4 =	simm.s32 $0x1BF5;
	[smem:$0x3FB6] =	sst s0  }
0x18: {  	s0 =	sld [smem:$0x3F99];
	_ =	swait.ge [sflag:s4], $0x0  }
0x19: {  	s7 =	sld [smem:$0x3F9A]  }
0x1a: {  	s8 =	sadd.s32 $0xFFFFE003, lr  }
0x1b: {  	s9 =	sadd.s32 $0xFFFFFEF7, lr;
	s5 =	simm.s32 $0xFFFFFFFF;
	p2 =	slt.u32 s8, $0xFFFFF086  }
0x1c: {  	p1 =	slt.u32 s9, $0xF7A;
	s5 =	simm.s32 @!p2 $0x0  }
0x1d: {  	s5 =	simm.s32 @p1 $0x1;
	p0 =	seq.s32 s7, s2  }
0x1e: {  	s7 =	smul.u32 @!p0 $0xF7A, s2;
	p2 =	seq.s32 @!p0 s5, $0x0  }
0x1f: {  	s9 =	smul.u32 $0xF7A, s1;
	s8 =	simm.s32 @!p0 $0x1BF5;
	p2 =	por !p2, p0  }
0x20: {  	[sflag:s8] =	ssyncset.s32 @!p0 $0xFFFFF086;
	s6 =	sadd.s32 @!p0 s3, s7;
	s7 =	simm.s32 @!p0 $0x108  }
0x21: {  	s3 =	sadd.s32 s3, s9;
	s6 =	sadd.s32 @!p0 $0x88, s6;
	s7 =	simm.s32 @p2 $0x1082  }
0x22: {  	[simem:s7], [sflag:s8] =	dma.local @!p0 [hbm:s6], $0xF7A  }
0x23: {  	s9 =	sor.u32 $0xD0000000, s2;
	s6 =	simm.s32 $0x108;
	_ =	swait.ge @!p0 [sflag:s8], $0x0  }
0x24: {  	s3 =	sadd.s32 $0x88, s3;
	s6 =	simm.s32 @!p1 $0x1082;
	[sflag:s4] =	ssyncset.s32 $0xFFFFF086  }
0x25: {  	[simem:s6], [sflag:s4] =	dma.local [hbm:s3], $0xF7A  }
0x26: {  	[smem:$0x3F9A] =	sst s1;
	(tag) =	ssettag s2;
	_ =	strace s9  }
0x27: {  	s1 =	sld [smem:$0x3FAA]  }
0x28: {  	s2 =	sld [smem:$0x3FAB]  }
0x29: {  	s4 =	sld [smem:$0x3FAD]  }
0x2a: {  	p0 =	seq.s32 s5, $0x0;
	s5 =	sld [smem:$0x3FAE]  }
0x2b: {  	s6 =	sld [smem:$0x3FAF]  }
0x2c: {  	s7 =	sld [smem:$0x3FB0]  }
0x2d: {  	s3 =	simm.s32 $0x108;
	s8 =	sld [smem:$0x3FB1]  }
0x2e: {  	s3 =	simm.s32 @!p0 $0x1082;
	s9 =	sld [smem:$0x3FB2]  }
0x2f: {  	lr =	sadd.s32 s0, s3;
	s0 =	sld [smem:$0x3FA9]  }
0x30: {  	s3 =	sld [smem:$0x3FAC]  }
0x31: {  	[smem:$0x3FB5] =	sst s10  }
0x32: {  	s10 =	sld [smem:$0x3FB3];
	_ =	sdelay $0x3  }
0x33: {  	p0 =	seq.s32 s10, $0x1;
	s10 =	sld [smem:$0x3FB5];
	_ =	sdelay $0x3  }
0x34: {  	[smem:$0x3FB5] =	sst s10  }
0x35: {  	s10 =	sld [smem:$0x3FB4];
	_ =	sdelay $0x3  }
0x36: {  	p1 =	seq.s32 s10, $0x1;
	s10 =	sld [smem:$0x3FB5];
	_ =	sdelay $0x3  }
0x37: {  	[smem:$0x3FB5] =	sst s10  }
0x38: {  	s10 =	sld [smem:$0x3FB6]  }
0x39: {  	_ = 	snop;
	(pc) =	sbr.ind lr, $3  }
0x3a: {  	_ = 	snop  }
0x3b: {  	_ = 	snop  }
0x3c: {  	p2 =	seq.s32 s10, $0x1;
	s10 =	sld [smem:$0x3FB5]  }
0x3d: {  	_ =	shalt  }
0x3e: {  	_ =	shalt  }
0x3f: {  	_ =	shalt  }
0x40: {  	_ =	shalt  }
0x41: {  	_ =	shalt  }
0x42: {  	_ =	shalt  }
0x43: {  	_ =	shalt  }
0x44: {  	_ =	shalt  }
0x45: {  	_ =	shalt  }
0x46: {  	_ =	shalt  }
0x47: {  	_ =	shalt  }
0x48: {  	_ =	shalt  }
0x49: {  	_ =	shalt  }
0x4a: {  	_ =	shalt  }
0x4b: {  	_ =	shalt  }
0x4c: {  	_ =	shalt  }
0x4d: {  	_ =	shalt  }
0x4e: {  	_ =	shalt  }
0x4f: {  	_ =	shalt  }
0x50: {  	_ =	shalt  }
0x51: {  	_ =	shalt  }
0x52: {  	_ =	shalt  }
0x53: {  	_ =	shalt  }
0x54: {  	_ =	shalt  }
0x55: {  	_ =	shalt  }
0x56: {  	_ =	shalt  }
0x57: {  	_ =	shalt  }
0x58: {  	_ =	shalt  }
0x59: {  	_ =	shalt  }
0x5a: {  	_ =	shalt  }
0x5b: {  	_ =	shalt  }
0x5c: {  	_ =	shalt  }
0x5d: {  	_ =	shalt  }
0x5e: {  	_ =	shalt  }
0x5f: {  	_ =	shalt  }
0x60: {  	_ =	shalt  }
0x61: {  	_ =	shalt  }
0x62: {  	_ =	shalt  }
0x63: {  	_ =	shalt  }
0x64: {  	_ =	shalt  }
0x65: {  	_ =	shalt  }
0x66: {  	_ =	shalt  }
0x67: {  	_ =	shalt  }
0x68: {  	_ =	shalt  }
0x69: {  	_ =	shalt  }
0x6a: {  	_ =	shalt  }
0x6b: {  	_ =	shalt  }
0x6c: {  	_ =	shalt  }
0x6d: {  	_ =	shalt  }
0x6e: {  	_ =	shalt  }
0x6f: {  	_ =	shalt  }
0x70: {  	_ =	shalt  }
0x71: {  	_ =	shalt  }
0x72: {  	_ =	shalt  }
0x73: {  	_ =	shalt  }
0x74: {  	_ =	shalt  }
0x75: {  	_ =	shalt  }
0x76: {  	_ =	shalt  }
0x77: {  	_ =	shalt  }
0x78: {  	_ =	shalt  }
0x79: {  	_ =	shalt  }
0x7a: {  	_ =	shalt  }
0x7b: {  	_ =	shalt  }
0x7c: {  	_ =	shalt  }
0x7d: {  	_ =	shalt  }
0x7e: {  	_ =	shalt  }
0x7f: {  	_ =	shalt  }
0x80: {  	_ =	shalt  }
0x81: {  	_ =	shalt  }
0x82: {  	_ =	shalt  }
0x83: {  	_ =	shalt  }
0x84: {  	_ =	shalt  }
0x85: {  	_ =	shalt  }
0x86: {  	_ =	shalt  }
0x87: {  	_ =	shalt  }
.Lfunc_end0:
.L_simem_size_0:
called_computation_lowered:
.L_overlay_start_0:
0x88: {  	s2 =	sld [smem:$0x3FD9]  }
0x89: {  	s3 =	sld [smem:$0x3FFE];
	_ =	sdelay $0x1  }
0x8a: {  	s1 =	srdreg.scid  }
0x8b: {  	s0 =	sand.u32 $0x1, s1  }
0x8c: {  	s17 =	sshll.u32 s0, $0xA;
	s2 =	sadd.s32 s3, s2  }
0x8d: {  	s2 =	sadd.s32 s2, s17  }
0x8e: {  	[smem:$0x3FC1] =	sst s2  }
0x8f: {  	_ = 	snop  }
0x90: {  	s2 =	sld [smem:$0x3FC9]  }
0x91: {  	s18 =	sld [smem:$0x3FC8]  }
0x92: {  	s4 =	sld [smem:$0x3FC7];
	(tm) =	ssettm $0x1  }
0x93: {  	s5 =	sld [smem:$0x3FFB];
	_ =	sdelay $0x3  }
0x94: {  	_ =	strace s5  }
0x95: {  	s5 =	sld [smem:$0x3FFC];
	_ =	sdelay $0x3  }
0x96: {  	_ =	strace s5  }
0x97: {  	s5 =	sld [smem:$0x3FFD];
	_ =	sdelay $0x3  }
0x98: {  	_ =	strace s5  }
0x99: {  	_ =	strace $0x8FFFFFFF  }
0x9a: {  	s19 =	sld [smem:$0x3FDB];
	_ =	sdelay $0x1  }
0x9b: {  	s6 =	simm.s32 $_scs_section_size  }
0x9c: {  	s7 =	simm.s32 $_size__tile_overlayer_lowered;
	s8 =	simm.s32 $_tile_overlayer_lowered  }
0x9d: {  	s22 =	simm.s32 $0x1BFF;
	s21 =	sshll.u32 s8, $0x1;
	s5 =	sadd.s32 s6, s19  }
0x9e: {  	s9 =	simm.s32 $0x0;
	s20 =	sshll.u32 s7, $0x1;
	s7 =	sadd.s32 s21, s5  }
0x9f: {  	[timem:s9], [sflag:s22] =	dma.local [hbm:s7], s20  }
0xa0: {  	_ =	swait.ge [sflag:s22], s20  }
0xa1: {  	s6 =	ssub.s32 $0x0, s20;
	[sflag:s22] =	ssyncset.done $0x0  }
0xa2: {  	[sflag:s22] =	ssyncadd.s32 s6;
	_ =	sdelay $0x1  }
0xa3: {  	s23 =	simm.s32 $0x1B8B  }
0xa4: {  	_ =	swait.ge [sflag:s23], $0x1  }
0xa5: {  	[sflag:s23] =	ssyncset.done $0x0  }
0xa6: {  	s25 =	simm.s32 $0x1B8E;
	s24 =	sld [smem:$0x3FFE];
	[sflag:s23] =	ssyncadd.s32 $0xFFFFFFFF  }
0xa7: {  	s26 =	simm.s32 $execute0_lowered;
	[smem:$0x3FD2] =	sst s25  }
0xa8: {  	s7 =	sshll.u32 s26, $0x1;
	_ =	strace $0x80000046;
	[dreg:$0x1] =	wrdreg $0xFFFFFFFF  }
0xa9: {  	s28 =	simm.s32 $_size_execute0_lowered;
	s5 =	sadd.s32 s5, s7;
	[dreg:$0x0] =	wrdreg $0x0  }
0xaa: {  	s7 =	sshll.u32 s28, $0x1;
	[dreg:$0x2] =	wrdreg s5  }
0xab: {  	[dreg:$0x3] =	wrdreg s7  }
0xac: {  	[dreg:$0x4] =	wrdreg $0xC0  }
0xad: {  	_ =	task [dreg:s9], $0x5FFFF  }
0xae: {  	[dreg:$0x1] =	wrdreg $0xFFFFFFFF  }
0xaf: {  	[dreg:$0x0] =	wrdreg $0x60  }
0xb0: {  	[dreg:$0x2] =	wrdreg s18  }
0xb1: {  	[dreg:$0x3] =	wrdreg s4  }
0xb2: {  	[dreg:$0x4] =	wrdreg s2  }
0xb3: {  	[dreg:$0x5] =	wrdreg s24  }
0xb4: {  	[dreg:$0x6] =	wrdreg $0x9  }
0xb5: {  	_ =	task.clear_ibuf [dreg:s9], $0x7FFFF;
	_ =	strace $0x90000046  }
0xb6: {  	s29 =	simm.s32 $0x9;
	_ =	strace $0x80000048  }
0xb7: {  	_ =	swait.ge [sflag:s29], $0x1  }
0xb8: {  	[sflag:s29] =	ssyncadd.s32 $0xFFFFFFFF  }
0xb9: {  	_ =	strace $0x90000048  }
0xba: {  	_ =	sfence  }
0xbb: {  	s30 =	sld [smem:$0x0];
	_ =	sdelay $0x2  }
0xbc: {  	s31 =	sshll.u32 s1, $0xD;
	s1 =	sshrl.u32 s1, $0x2  }
0xbd: {  	s3 =	sand.u32 $0x4000, s31;
	s1 =	sadd.s32 s1, s30  }
0xbe: {  	s0 =	sor.u32 s3, s0;
	s1 =	sshll.u32 s1, $0x11  }
0xbf: {  	s0 =	sor.u32 s1, s0  }
0xc0: {  	s0 =	sadd.s32 $0x8F2B, s0  }
0xc1: {  	[sflag:s0] =	ssyncadd.remote.s32 $0x1  }
0xc2: {  	_ =	sfence.sel $0xFFFF  }
0xc3: {  	[dreg:$0x0] =	wrdreg $0xFFFFFFFF;
	(pc) =	sbr.abs _section_cstart, $3  }
0xc4: {  	[dreg:$0x1] =	wrdreg $0xFFFFFFFF  }
0xc5: {  	_ =	task.clear_ibuf [dreg:s9], $0x2FFFF;
	_ =	strace $0x9FFFFFFF  }
0xc6: {  	(tm) =	ssettm $0x7FFFFFFF  }
0xc7: {  	_ =	shalt  }
tec
execute0_lowered:
.L_overlay_start_1:
0x0: {  	(tag) =	ssettag $0x1  }
0x1: {  	s0 =	rddreg [dreg:$0x0]  }
0x2: {  	s1 =	rddreg [dreg:$0x1]  }
0x3: {  	s3 =	srdreg.scid;
	s2 =	rddreg [dreg:$0x2]  }
0x4: {  	s6 =	stileid.u32;
	s5 =	rddreg [dreg:$0x3]  }
0x5: {  	s26 =	simm.s32 $0x200;
	s31 =	simm.s32 $0x1;
	s13 =	simm.s32 $0x2  }
0x6: {  	s11 =	simm.s32 $0x11400;
	s12 =	simm.s32 $0x11C00;
	s10 =	simm.s32 $0x14400  }
0x7: {  	s28 =	simm.s32 $0x16C00;
	s29 =	simm.s32 $0x17400;
	s30 =	simm.s32 $0x17C00  }
0x8: {  	s4 =	sand.u32 $0x1, s3;
	s6 =	sshll.u32 s6, $0xA;
	s3 =	simm.s32 $0x0  }
0x9: {  	s8 =	sadd.s32 $0x1000, s5;
	s5 =	sadd.s32 $0x81000, s5;
	s7 =	sshll.u32 s4, $0x9  }
0xa: {  	[smem:$0x7FF] =	sst s3;
	s23 =	ssub.s32 $0x2, s4;
	s6 =	sor.u32 s7, s6  }
0xb: {  	_ =	strace $0x80000047;
	s4 =	sshrl.u32 s23, $0x1;
	[dreg:$0xf] =	wrdreg s26  }
0xc: {  	s26 =	simm.s32 $0x16400;
	s7 =	sshrl.u32 s6, $0x3;
	s15 =	sshll.u32 s6, $0x5  }
0xd: {  	s0 =	sadd.s32 s0, s7;
	s14 =	sadd.s32 s1, s7;
	s16 =	sadd.s32 s8, s15  }
0xe: {  	s6 =	sor.u32 $0x1000, s15;
	s18 =	sor.u32 $0x2000, s15;
	s9 =	sor.u32 $0x3000, s15  }
0xf: {  	s21 =	sadd.s32 s5, s15;
	s1 =	ssub.s32 s23, s4;
	[dreg:$0x5] =	wrdreg s0  }
0x10: {  	s15 =	simm.s32 $0x3;
	s7 =	simm.s32 $0x12C00;
	[dreg:$0x6] =	wrdreg s14  }
0x11: {  	s23 =	simm.s32 $0x14C00;
	[dreg:$0x7] =	wrdreg s16;
	s17 =	sadd.s32 s8, s6  }
0x12: {  	s19 =	sadd.s32 s8, s18;
	s20 =	sadd.s32 s8, s9;
	[dreg:$0xb] =	wrdreg s21  }
0x13: {  	s22 =	sadd.s32 s5, s6;
	s24 =	sadd.s32 s5, s18;
	[dreg:$0x8] =	wrdreg s17  }
0x14: {  	s25 =	sadd.s32 s5, s9;
	s4 =	smax.u32 s1, $0x1;
	[dreg:$0x9] =	wrdreg s19  }
0x15: {  	s6 =	simm.s32 $0x400;
	s14 =	simm.s32 $0x5;
	[dreg:$0xa] =	wrdreg s20  }
0x16: {  	s16 =	simm.s32 $0x6;
	s18 =	simm.s32 $0x7;
	[dreg:$0xc] =	wrdreg s22  }
0x17: {  	v2 =	vlaneseq.u32;
	s5 =	simm.s32 $0x10C00;
	s8 =	simm.s32 $0x13400;
	[dreg:$0xd] =	wrdreg s24  }
0x18: {  	vm0 =	vmmov $0xffff;
	v1 =	vshrl.u32 v2, $0x3;
	s9 =	simm.s32 $0x13C00;
	[dreg:$0xe] =	wrdreg s25;
	s22 =	simm.s32 $0x8400  }
0x19: {  	v0 =	vand.u32 $0x7, v2;
	v2 =	vor.u32 $0x8, v2;
	v1 =	vmul.u32 $0x8, v1;
	s17 =	simm.s32 $0x4;
	s24 =	simm.s32 $0x15400;
	s25 =	simm.s32 $0x15C00  }
.LBB2_1:
0x1a: {  	s19 =	rddreg [dreg:$0x5]  }
0x1b: {  	s20 =	rddreg [dreg:$0x6]  }
0x1c: {  	[tilespmem:s3], [sflag:$0x1] =	stream.linear.gather [hbm4b:s19+s3], $0x200, $0x38;
	[tilespmem:$0x18400] =	vst v63  }
0x1d: {  	s21 =	rddreg [dreg:$0xf]  }
0x1e: {  	[tilespmem:s21], [sflag:$0x1] =	stream.linear.gather [hbm4b:s20+s3], $0x200, $0x38;
	[tilespmem:$0x18400] =	vst v63  }
0x1f: {  	_ =	swait.ge [sflag:s31], $0x200  }
0x20: {  	[sflag:s31] =	ssyncset.done $0x0  }
0x21: {  	[sflag:s31] =	ssyncadd.s32 $0xFFFFFE00  }
0x22: {  	_ =	swait.ge [sflag:s31], $0x200  }
0x23: {  	[sflag:s31] =	ssyncset.done $0x0  }
0x24: {  	[sflag:s31] =	ssyncadd.s32 $0xFFFFFE00  }
0x25: {  	v3 =	vld [tilespmem:$0x0];
	_ =	sdelay $0x4  }
0x26: {  	v4 =	vshll.u32 v3, $0x1  }
0x27: {  	v3 =	vand.u32 $0x7, v3;
	v4 =	vand.u32 $0xFFFFFFF0, v4  }
0x28: {  	v3 =	vor.u32 v3, v4  }
0x29: {  	v4 =	vperm.xlane v3, v0;
	_ =	sdelay $0x1  }
0x2a: {  	v3 =	vperm.xlane v3, v2;
	v4 =	vadd.s32 v1, v4;
	_ =	sdelay $0x1  }
0x2b: {  	v3 =	vadd.s32 v1, v3;
	_ =	sdelay $0x2  }
0x2c: {  	[tilespmem:s6], [sflag:$0x2] =	stream.indirect_vreg.gather [hbm4b:s2+s3], $0x80, v4, vm0, $0xb8;
	[tilespmem:$0x18400] =	vst v63  }
0x2d: {  	s20 =	simm.s32 $0xC00  }
0x2e: {  	[tilespmem:s20], [sflag:$0x2] =	stream.indirect_vreg.gather [hbm4b:s2+s3], $0x80, v3, vm0, $0xb8;
	[tilespmem:$0x18400] =	vst v63  }
0x2f: {  	v3 =	vld [tilespmem:$0x10];
	_ =	sdelay $0x4  }
0x30: {  	v57 =	vshll.u32 v3, $0x1  }
0x31: {  	v3 =	vand.u32 $0x7, v3;
	v4 =	vand.u32 $0xFFFFFFF0, v57  }
0x32: {  	v3 =	vor.u32 v3, v4  }
0x33: {  	v4 =	vperm.xlane v3, v0;
	_ =	sdelay $0x1  }
0x34: {  	v3 =	vperm.xlane v3, v2;
	v4 =	vadd.s32 v1, v4;
	_ =	sdelay $0x1  }
0x35: {  	v3 =	vadd.s32 v1, v3;
	_ =	sdelay $0x1  }
0x36: {  	s21 =	simm.s32 $0x1400  }
0x37: {  	[tilespmem:s21], [sflag:$0x2] =	stream.indirect_vreg.gather [hbm4b:s2+s3], $0x80, v4, vm0, $0xb8;
	[tilespmem:$0x18400] =	vst v63  }
0x38: {  	s0 =	simm.s32 $0x1C00  }
0x39: {  	[tilespmem:s0], [sflag:$0x2] =	stream.indirect_vreg.gather [hbm4b:s2+s3], $0x80, v3, vm0, $0xb8;
	[tilespmem:$0x18400] =	vst v63  }
0x3a: {  	v3 =	vld [tilespmem:$0x20];
	_ =	sdelay $0x4  }
0x3b: {  	v58 =	vshll.u32 v3, $0x1  }
0x3c: {  	v3 =	vand.u32 $0x7, v3;
	v4 =	vand.u32 $0xFFFFFFF0, v58  }
0x3d: {  	v3 =	vor.u32 v3, v4  }
0x3e: {  	v4 =	vperm.xlane v3, v0;
	_ =	sdelay $0x1  }
0x3f: {  	v3 =	vperm.xlane v3, v2;
	v4 =	vadd.s32 v1, v4;
	_ =	sdelay $0x1  }
0x40: {  	v3 =	vadd.s32 v1, v3;
	_ =	sdelay $0x1  }
0x41: {  	s19 =	simm.s32 $0x2400  }
0x42: {  	[tilespmem:s19], [sflag:$0x2] =	stream.indirect_vreg.gather [hbm4b:s2+s3], $0x80, v4, vm0, $0xb8;
	[tilespmem:$0x18400] =	vst v63  }
0x43: {  	s1 =	simm.s32 $0x2C00  }
0x44: {  	[tilespmem:s1], [sflag:$0x2] =	stream.indirect_vreg.gather [hbm4b:s2+s3], $0x80, v3, vm0, $0xb8;
	[tilespmem:$0x18400] =	vst v63  }
0x45: {  	v3 =	vld [tilespmem:$0x30];
	_ =	sdelay $0x4  }
0x46: {  	v59 =	vshll.u32 v3, $0x1  }
0x47: {  	v3 =	vand.u32 $0x7, v3;
	v4 =	vand.u32 $0xFFFFFFF0, v59  }
0x48: {  	v3 =	vor.u32 v3, v4  }
0x49: {  	v4 =	vperm.xlane v3, v0;
	_ =	sdelay $0x1  }
0x4a: {  	v3 =	vperm.xlane v3, v2;
	v4 =	vadd.s32 v1, v4;
	_ =	sdelay $0x1  }
0x4b: {  	v3 =	vadd.s32 v1, v3;
	_ =	sdelay $0x1  }
0x4c: {  	s19 =	simm.s32 $0x3400  }
0x4d: {  	[tilespmem:s19], [sflag:$0x2] =	stream.indirect_vreg.gather [hbm4b:s2+s3], $0x80, v4, vm0, $0xb8;
	[tilespmem:$0x18400] =	vst v63  }
0x4e: {  	s1 =	simm.s32 $0x3C00  }
0x4f: {  	[tilespmem:s1], [sflag:$0x2] =	stream.indirect_vreg.gather [hbm4b:s2+s3], $0x80, v3, vm0, $0xb8;
	[tilespmem:$0x18400] =	vst v63  }
0x50: {  	v3 =	vld [tilespmem:$0x40];
	_ =	sdelay $0x4  }
0x51: {  	v60 =	vshll.u32 v3, $0x1  }
0x52: {  	v3 =	vand.u32 $0x7, v3;
	v4 =	vand.u32 $0xFFFFFFF0, v60  }
0x53: {  	v3 =	vor.u32 v3, v4  }
0x54: {  	v4 =	vperm.xlane v3, v0;
	_ =	sdelay $0x1  }
0x55: {  	v3 =	vperm.xlane v3, v2;
	v4 =	vadd.s32 v1, v4;
	_ =	sdelay $0x1  }
0x56: {  	v3 =	vadd.s32 v1, v3;
	_ =	sdelay $0x1  }
0x57: {  	s19 =	simm.s32 $0x4400  }
0x58: {  	[tilespmem:s19], [sflag:$0x2] =	stream.indirect_vreg.gather [hbm4b:s2+s3], $0x80, v4, vm0, $0xb8;
	[tilespmem:$0x18400] =	vst v63  }
0x59: {  	s1 =	simm.s32 $0x4C00  }
0x5a: {  	[tilespmem:s1], [sflag:$0x2] =	stream.indirect_vreg.gather [hbm4b:s2+s3], $0x80, v3, vm0, $0xb8;
	[tilespmem:$0x18400] =	vst v63  }
0x5b: {  	v3 =	vld [tilespmem:$0x50];
	_ =	sdelay $0x4  }
0x5c: {  	v61 =	vshll.u32 v3, $0x1  }
0x5d: {  	v3 =	vand.u32 $0x7, v3;
	v4 =	vand.u32 $0xFFFFFFF0, v61  }
0x5e: {  	v3 =	vor.u32 v3, v4  }
0x5f: {  	v4 =	vperm.xlane v3, v0;
	_ =	sdelay $0x1  }
0x60: {  	v3 =	vperm.xlane v3, v2;
	v4 =	vadd.s32 v1, v4;
	_ =	sdelay $0x1  }
0x61: {  	v3 =	vadd.s32 v1, v3;
	_ =	sdelay $0x1  }
0x62: {  	s19 =	simm.s32 $0x5400  }
0x63: {  	[tilespmem:s19], [sflag:$0x2] =	stream.indirect_vreg.gather [hbm4b:s2+s3], $0x80, v4, vm0, $0xb8;
	[tilespmem:$0x18400] =	vst v63  }
0x64: {  	s1 =	simm.s32 $0x5C00  }
0x65: {  	[tilespmem:s1], [sflag:$0x2] =	stream.indirect_vreg.gather [hbm4b:s2+s3], $0x80, v3, vm0, $0xb8;
	[tilespmem:$0x18400] =	vst v63  }
0x66: {  	v3 =	vld [tilespmem:$0x60];
	_ =	sdelay $0x4  }
0x67: {  	v62 =	vshll.u32 v3, $0x1  }
0x68: {  	v3 =	vand.u32 $0x7, v3;
	v4 =	vand.u32 $0xFFFFFFF0, v62  }
0x69: {  	v3 =	vor.u32 v3, v4  }
0x6a: {  	v4 =	vperm.xlane v3, v0;
	_ =	sdelay $0x1  }
0x6b: {  	v3 =	vperm.xlane v3, v2;
	v4 =	vadd.s32 v1, v4;
	_ =	sdelay $0x1  }
0x6c: {  	v3 =	vadd.s32 v1, v3;
	_ =	sdelay $0x1  }
0x6d: {  	s19 =	simm.s32 $0x6400  }
0x6e: {  	[tilespmem:s19], [sflag:$0x2] =	stream.indirect_vreg.gather [hbm4b:s2+s3], $0x80, v4, vm0, $0xb8;
	[tilespmem:$0x18400] =	vst v63  }
0x6f: {  	s1 =	simm.s32 $0x6C00  }
0x70: {  	[tilespmem:s1], [sflag:$0x2] =	stream.indirect_vreg.gather [hbm4b:s2+s3], $0x80, v3, vm0, $0xb8;
	[tilespmem:$0x18400] =	vst v63  }
0x71: {  	v3 =	vld [tilespmem:$0x70];
	_ =	sdelay $0x4  }
0x72: {  	v63 =	vshll.u32 v3, $0x1  }
0x73: {  	v3 =	vand.u32 $0x7, v3;
	v4 =	vand.u32 $0xFFFFFFF0, v63  }
0x74: {  	v3 =	vor.u32 v3, v4  }
0x75: {  	v4 =	vperm.xlane v3, v0;
	_ =	sdelay $0x1  }
0x76: {  	v3 =	vperm.xlane v3, v2;
	v4 =	vadd.s32 v1, v4;
	_ =	sdelay $0x1  }
0x77: {  	v3 =	vadd.s32 v1, v3;
	_ =	sdelay $0x1  }
0x78: {  	s19 =	simm.s32 $0x7400  }
0x79: {  	[tilespmem:s19], [sflag:$0x2] =	stream.indirect_vreg.gather [hbm4b:s2+s3], $0x80, v4, vm0, $0xb8;
	[tilespmem:$0x18400] =	vst v63  }
0x7a: {  	s1 =	simm.s32 $0x7C00  }
0x7b: {  	[tilespmem:s1], [sflag:$0x2] =	stream.indirect_vreg.gather [hbm4b:s2+s3], $0x80, v3, vm0, $0xb8;
	[tilespmem:$0x18400] =	vst v63  }
0x7c: {  	v3 =	vld [tilespmem:$0x80];
	_ =	sdelay $0x4  }
0x7d: {  	v8 =	vshll.u32 v3, $0x1  }
0x7e: {  	v3 =	vand.u32 $0x7, v3;
	v4 =	vand.u32 $0xFFFFFFF0, v8  }
0x7f: {  	v3 =	vor.u32 v3, v4  }
0x80: {  	v4 =	vperm.xlane v3, v0;
	_ =	sdelay $0x1  }
0x81: {  	v3 =	vperm.xlane v3, v2;
	v4 =	vadd.s32 v1, v4;
	_ =	sdelay $0x1  }
0x82: {  	v3 =	vadd.s32 v1, v3;
	_ =	sdelay $0x2  }
0x83: {  	[tilespmem:s22], [sflag:$0x3] =	stream.indirect_vreg.gather [hbm4b:s2+s3], $0x80, v4, vm0, $0xb8;
	[tilespmem:$0x18400] =	vst v63  }
0x84: {  	s19 =	simm.s32 $0x8C00  }
0x85: {  	[tilespmem:s19], [sflag:$0x3] =	stream.indirect_vreg.gather [hbm4b:s2+s3], $0x80, v3, vm0, $0xb8;
	[tilespmem:$0x18400] =	vst v63  }
0x86: {  	v3 =	vld [tilespmem:$0x90];
	_ =	sdelay $0x4  }
0x87: {  	v9 =	vshll.u32 v3, $0x1  }
0x88: {  	v3 =	vand.u32 $0x7, v3;
	v4 =	vand.u32 $0xFFFFFFF0, v9  }
0x89: {  	v3 =	vor.u32 v3, v4  }
0x8a: {  	v4 =	vperm.xlane v3, v0;
	_ =	sdelay $0x1  }
0x8b: {  	v3 =	vperm.xlane v3, v2;
	v4 =	vadd.s32 v1, v4;
	_ =	sdelay $0x1  }
0x8c: {  	v3 =	vadd.s32 v1, v3;
	_ =	sdelay $0x1  }
0x8d: {  	s1 =	simm.s32 $0x9400  }
0x8e: {  	[tilespmem:s1], [sflag:$0x3] =	stream.indirect_vreg.gather [hbm4b:s2+s3], $0x80, v4, vm0, $0xb8;
	[tilespmem:$0x18400] =	vst v63  }
0x8f: {  	s19 =	simm.s32 $0x9C00  }
0x90: {  	[tilespmem:s19], [sflag:$0x3] =	stream.indirect_vreg.gather [hbm4b:s2+s3], $0x80, v3, vm0, $0xb8;
	[tilespmem:$0x18400] =	vst v63  }
0x91: {  	v3 =	vld [tilespmem:$0xA0];
	_ =	sdelay $0x4  }
0x92: {  	v10 =	vshll.u32 v3, $0x1  }
0x93: {  	v3 =	vand.u32 $0x7, v3;
	v4 =	vand.u32 $0xFFFFFFF0, v10  }
0x94: {  	v3 =	vor.u32 v3, v4  }
0x95: {  	v4 =	vperm.xlane v3, v0;
	_ =	sdelay $0x1  }
0x96: {  	v3 =	vperm.xlane v3, v2;
	v4 =	vadd.s32 v1, v4;
	_ =	sdelay $0x1  }
0x97: {  	v3 =	vadd.s32 v1, v3;
	_ =	sdelay $0x1  }
0x98: {  	s1 =	simm.s32 $0xA400  }
0x99: {  	[tilespmem:s1], [sflag:$0x3] =	stream.indirect_vreg.gather [hbm4b:s2+s3], $0x80, v4, vm0, $0xb8;
	[tilespmem:$0x18400] =	vst v63  }
0x9a: {  	s19 =	simm.s32 $0xAC00  }
0x9b: {  	[tilespmem:s19], [sflag:$0x3] =	stream.indirect_vreg.gather [hbm4b:s2+s3], $0x80, v3, vm0, $0xb8;
	[tilespmem:$0x18400] =	vst v63  }
0x9c: {  	v3 =	vld [tilespmem:$0xB0];
	_ =	sdelay $0x4  }
0x9d: {  	v11 =	vshll.u32 v3, $0x1  }
0x9e: {  	v3 =	vand.u32 $0x7, v3;
	v4 =	vand.u32 $0xFFFFFFF0, v11  }
0x9f: {  	v3 =	vor.u32 v3, v4  }
0xa0: {  	v4 =	vperm.xlane v3, v0;
	_ =	sdelay $0x1  }
0xa1: {  	v3 =	vperm.xlane v3, v2;
	v4 =	vadd.s32 v1, v4;
	_ =	sdelay $0x1  }
0xa2: {  	v3 =	vadd.s32 v1, v3;
	_ =	sdelay $0x1  }
0xa3: {  	s1 =	simm.s32 $0xB400  }
0xa4: {  	[tilespmem:s1], [sflag:$0x3] =	stream.indirect_vreg.gather [hbm4b:s2+s3], $0x80, v4, vm0, $0xb8;
	[tilespmem:$0x18400] =	vst v63  }
0xa5: {  	s19 =	simm.s32 $0xBC00  }
0xa6: {  	[tilespmem:s19], [sflag:$0x3] =	stream.indirect_vreg.gather [hbm4b:s2+s3], $0x80, v3, vm0, $0xb8;
	[tilespmem:$0x18400] =	vst v63  }
0xa7: {  	v3 =	vld [tilespmem:$0xC0];
	_ =	sdelay $0x4  }
0xa8: {  	v12 =	vshll.u32 v3, $0x1  }
0xa9: {  	v3 =	vand.u32 $0x7, v3;
	v4 =	vand.u32 $0xFFFFFFF0, v12  }
0xaa: {  	v3 =	vor.u32 v3, v4  }
0xab: {  	v4 =	vperm.xlane v3, v0;
	_ =	sdelay $0x1  }
0xac: {  	v3 =	vperm.xlane v3, v2;
	v4 =	vadd.s32 v1, v4;
	_ =	sdelay $0x1  }
0xad: {  	v3 =	vadd.s32 v1, v3;
	_ =	sdelay $0x1  }
0xae: {  	s1 =	simm.s32 $0xC400  }
0xaf: {  	[tilespmem:s1], [sflag:$0x3] =	stream.indirect_vreg.gather [hbm4b:s2+s3], $0x80, v4, vm0, $0xb8;
	[tilespmem:$0x18400] =	vst v63  }
0xb0: {  	s19 =	simm.s32 $0xCC00  }
0xb1: {  	[tilespmem:s19], [sflag:$0x3] =	stream.indirect_vreg.gather [hbm4b:s2+s3], $0x80, v3, vm0, $0xb8;
	[tilespmem:$0x18400] =	vst v63  }
0xb2: {  	v3 =	vld [tilespmem:$0xD0];
	_ =	sdelay $0x4  }
0xb3: {  	v13 =	vshll.u32 v3, $0x1  }
0xb4: {  	v3 =	vand.u32 $0x7, v3;
	v4 =	vand.u32 $0xFFFFFFF0, v13  }
0xb5: {  	v3 =	vor.u32 v3, v4  }
0xb6: {  	v4 =	vperm.xlane v3, v0;
	_ =	sdelay $0x1  }
0xb7: {  	v3 =	vperm.xlane v3, v2;
	v4 =	vadd.s32 v1, v4;
	_ =	sdelay $0x1  }
0xb8: {  	v3 =	vadd.s32 v1, v3;
	_ =	sdelay $0x1  }
0xb9: {  	s1 =	simm.s32 $0xD400  }
0xba: {  	[tilespmem:s1], [sflag:$0x3] =	stream.indirect_vreg.gather [hbm4b:s2+s3], $0x80, v4, vm0, $0xb8;
	[tilespmem:$0x18400] =	vst v63  }
0xbb: {  	s19 =	simm.s32 $0xDC00  }
0xbc: {  	[tilespmem:s19], [sflag:$0x3] =	stream.indirect_vreg.gather [hbm4b:s2+s3], $0x80, v3, vm0, $0xb8;
	[tilespmem:$0x18400] =	vst v63  }
0xbd: {  	v3 =	vld [tilespmem:$0xE0];
	_ =	sdelay $0x4  }
0xbe: {  	v14 =	vshll.u32 v3, $0x1  }
0xbf: {  	v3 =	vand.u32 $0x7, v3;
	v4 =	vand.u32 $0xFFFFFFF0, v14  }
0xc0: {  	v3 =	vor.u32 v3, v4  }
0xc1: {  	v4 =	vperm.xlane v3, v0;
	_ =	sdelay $0x1  }
0xc2: {  	v3 =	vperm.xlane v3, v2;
	v4 =	vadd.s32 v1, v4;
	_ =	sdelay $0x1  }
0xc3: {  	v3 =	vadd.s32 v1, v3;
	_ =	sdelay $0x1  }
0xc4: {  	s1 =	simm.s32 $0xE400  }
0xc5: {  	[tilespmem:s1], [sflag:$0x3] =	stream.indirect_vreg.gather [hbm4b:s2+s3], $0x80, v4, vm0, $0xb8;
	[tilespmem:$0x18400] =	vst v63  }
0xc6: {  	s19 =	simm.s32 $0xEC00  }
0xc7: {  	[tilespmem:s19], [sflag:$0x3] =	stream.indirect_vreg.gather [hbm4b:s2+s3], $0x80, v3, vm0, $0xb8;
	[tilespmem:$0x18400] =	vst v63  }
0xc8: {  	v3 =	vld [tilespmem:$0xF0];
	_ =	sdelay $0x4  }
0xc9: {  	v15 =	vshll.u32 v3, $0x1  }
0xca: {  	v3 =	vand.u32 $0x7, v3;
	v4 =	vand.u32 $0xFFFFFFF0, v15  }
0xcb: {  	v3 =	vor.u32 v3, v4  }
0xcc: {  	v4 =	vperm.xlane v3, v0;
	_ =	sdelay $0x1  }
0xcd: {  	v3 =	vperm.xlane v3, v2;
	v4 =	vadd.s32 v1, v4;
	_ =	sdelay $0x1  }
0xce: {  	v3 =	vadd.s32 v1, v3;
	_ =	sdelay $0x1  }
0xcf: {  	s1 =	simm.s32 $0xF400  }
0xd0: {  	[tilespmem:s1], [sflag:$0x3] =	stream.indirect_vreg.gather [hbm4b:s2+s3], $0x80, v4, vm0, $0xb8;
	[tilespmem:$0x18400] =	vst v63  }
0xd1: {  	s19 =	simm.s32 $0xFC00  }
0xd2: {  	[tilespmem:s19], [sflag:$0x3] =	stream.indirect_vreg.gather [hbm4b:s2+s3], $0x80, v3, vm0, $0xb8;
	[tilespmem:$0x18400] =	vst v63  }
0xd3: {  	v3 =	vld [tilespmem:$0x100];
	_ =	sdelay $0x4  }
0xd4: {  	v16 =	vshll.u32 v3, $0x1  }
0xd5: {  	v3 =	vand.u32 $0x7, v3;
	v4 =	vand.u32 $0xFFFFFFF0, v16  }
0xd6: {  	v3 =	vor.u32 v3, v4  }
0xd7: {  	v4 =	vperm.xlane v3, v0;
	_ =	sdelay $0x1  }
0xd8: {  	v3 =	vperm.xlane v3, v2;
	v4 =	vadd.s32 v1, v4;
	_ =	sdelay $0x1  }
0xd9: {  	v3 =	vadd.s32 v1, v3;
	_ =	sdelay $0x1  }
0xda: {  	s0 =	simm.s32 $0x10400  }
0xdb: {  	[tilespmem:s0], [sflag:$0x4] =	stream.indirect_vreg.gather [hbm4b:s2+s3], $0x80, v4, vm0, $0xb8;
	[tilespmem:$0x18400] =	vst v63  }
0xdc: {  	_ = 	snop  }
0xdd: {  	[tilespmem:s5], [sflag:$0x4] =	stream.indirect_vreg.gather [hbm4b:s2+s3], $0x80, v3, vm0, $0xb8;
	[tilespmem:$0x18400] =	vst v63  }
0xde: {  	v3 =	vld [tilespmem:$0x110];
	_ =	sdelay $0x4  }
0xdf: {  	v17 =	vshll.u32 v3, $0x1  }
0xe0: {  	v3 =	vand.u32 $0x7, v3;
	v4 =	vand.u32 $0xFFFFFFF0, v17  }
0xe1: {  	v3 =	vor.u32 v3, v4  }
0xe2: {  	v4 =	vperm.xlane v3, v0;
	_ =	sdelay $0x1  }
0xe3: {  	v3 =	vperm.xlane v3, v2;
	v4 =	vadd.s32 v1, v4;
	_ =	sdelay $0x1  }
0xe4: {  	v3 =	vadd.s32 v1, v3;
	_ =	sdelay $0x2  }
0xe5: {  	[tilespmem:s11], [sflag:$0x4] =	stream.indirect_vreg.gather [hbm4b:s2+s3], $0x80, v4, vm0, $0xb8;
	[tilespmem:$0x18400] =	vst v63  }
0xe6: {  	_ = 	snop  }
0xe7: {  	[tilespmem:s12], [sflag:$0x4] =	stream.indirect_vreg.gather [hbm4b:s2+s3], $0x80, v3, vm0, $0xb8;
	[tilespmem:$0x18400] =	vst v63  }
0xe8: {  	v3 =	vld [tilespmem:$0x120];
	_ =	sdelay $0x4  }
0xe9: {  	v18 =	vshll.u32 v3, $0x1  }
0xea: {  	v3 =	vand.u32 $0x7, v3;
	v4 =	vand.u32 $0xFFFFFFF0, v18  }
0xeb: {  	v3 =	vor.u32 v3, v4  }
0xec: {  	v4 =	vperm.xlane v3, v0;
	_ =	sdelay $0x1  }
0xed: {  	v3 =	vperm.xlane v3, v2;
	v4 =	vadd.s32 v1, v4;
	_ =	sdelay $0x1  }
0xee: {  	v3 =	vadd.s32 v1, v3;
	_ =	sdelay $0x1  }
0xef: {  	s1 =	simm.s32 $0x12400  }
0xf0: {  	[tilespmem:s1], [sflag:$0x4] =	stream.indirect_vreg.gather [hbm4b:s2+s3], $0x80, v4, vm0, $0xb8;
	[tilespmem:$0x18400] =	vst v63  }
0xf1: {  	_ = 	snop  }
0xf2: {  	[tilespmem:s7], [sflag:$0x4] =	stream.indirect_vreg.gather [hbm4b:s2+s3], $0x80, v3, vm0, $0xb8;
	[tilespmem:$0x18400] =	vst v63  }
0xf3: {  	v3 =	vld [tilespmem:$0x130];
	_ =	sdelay $0x4  }
0xf4: {  	v19 =	vshll.u32 v3, $0x1  }
0xf5: {  	v3 =	vand.u32 $0x7, v3;
	v4 =	vand.u32 $0xFFFFFFF0, v19  }
0xf6: {  	v3 =	vor.u32 v3, v4  }
0xf7: {  	v4 =	vperm.xlane v3, v0;
	_ =	sdelay $0x1  }
0xf8: {  	v3 =	vperm.xlane v3, v2;
	v4 =	vadd.s32 v1, v4;
	_ =	sdelay $0x1  }
0xf9: {  	v3 =	vadd.s32 v1, v3;
	_ =	sdelay $0x2  }
0xfa: {  	[tilespmem:s8], [sflag:$0x4] =	stream.indirect_vreg.gather [hbm4b:s2+s3], $0x80, v4, vm0, $0xb8;
	[tilespmem:$0x18400] =	vst v63  }
0xfb: {  	_ = 	snop  }
0xfc: {  	[tilespmem:s9], [sflag:$0x4] =	stream.indirect_vreg.gather [hbm4b:s2+s3], $0x80, v3, vm0, $0xb8;
	[tilespmem:$0x18400] =	vst v63  }
0xfd: {  	v3 =	vld [tilespmem:$0x140];
	_ =	sdelay $0x4  }
0xfe: {  	v20 =	vshll.u32 v3, $0x1  }
0xff: {  	v3 =	vand.u32 $0x7, v3;
	v4 =	vand.u32 $0xFFFFFFF0, v20  }
0x100: {  	v3 =	vor.u32 v3, v4  }
0x101: {  	v4 =	vperm.xlane v3, v0;
	_ =	sdelay $0x1  }
0x102: {  	v3 =	vperm.xlane v3, v2;
	v4 =	vadd.s32 v1, v4;
	_ =	sdelay $0x1  }
0x103: {  	v3 =	vadd.s32 v1, v3;
	_ =	sdelay $0x2  }
0x104: {  	[tilespmem:s10], [sflag:$0x4] =	stream.indirect_vreg.gather [hbm4b:s2+s3], $0x80, v4, vm0, $0xb8;
	[tilespmem:$0x18400] =	vst v63  }
0x105: {  	_ = 	snop  }
0x106: {  	[tilespmem:s23], [sflag:$0x4] =	stream.indirect_vreg.gather [hbm4b:s2+s3], $0x80, v3, vm0, $0xb8;
	[tilespmem:$0x18400] =	vst v63  }
0x107: {  	v3 =	vld [tilespmem:$0x150];
	_ =	sdelay $0x4  }
0x108: {  	v21 =	vshll.u32 v3, $0x1  }
0x109: {  	v3 =	vand.u32 $0x7, v3;
	v4 =	vand.u32 $0xFFFFFFF0, v21  }
0x10a: {  	v3 =	vor.u32 v3, v4  }
0x10b: {  	v4 =	vperm.xlane v3, v0;
	_ =	sdelay $0x1  }
0x10c: {  	v3 =	vperm.xlane v3, v2;
	v4 =	vadd.s32 v1, v4;
	_ =	sdelay $0x1  }
0x10d: {  	v3 =	vadd.s32 v1, v3;
	_ =	sdelay $0x2  }
0x10e: {  	[tilespmem:s24], [sflag:$0x4] =	stream.indirect_vreg.gather [hbm4b:s2+s3], $0x80, v4, vm0, $0xb8;
	[tilespmem:$0x18400] =	vst v63  }
0x10f: {  	_ = 	snop  }
0x110: {  	[tilespmem:s25], [sflag:$0x4] =	stream.indirect_vreg.gather [hbm4b:s2+s3], $0x80, v3, vm0, $0xb8;
	[tilespmem:$0x18400] =	vst v63  }
0x111: {  	v3 =	vld [tilespmem:$0x160];
	_ =	sdelay $0x4  }
0x112: {  	v22 =	vshll.u32 v3, $0x1  }
0x113: {  	v3 =	vand.u32 $0x7, v3;
	v4 =	vand.u32 $0xFFFFFFF0, v22  }
0x114: {  	v3 =	vor.u32 v3, v4  }
0x115: {  	v4 =	vperm.xlane v3, v0;
	_ =	sdelay $0x1  }
0x116: {  	v3 =	vperm.xlane v3, v2;
	v4 =	vadd.s32 v1, v4;
	_ =	sdelay $0x1  }
0x117: {  	v3 =	vadd.s32 v1, v3;
	_ =	sdelay $0x2  }
0x118: {  	[tilespmem:s26], [sflag:$0x4] =	stream.indirect_vreg.gather [hbm4b:s2+s3], $0x80, v4, vm0, $0xb8;
	[tilespmem:$0x18400] =	vst v63  }
0x119: {  	_ = 	snop  }
0x11a: {  	[tilespmem:s28], [sflag:$0x4] =	stream.indirect_vreg.gather [hbm4b:s2+s3], $0x80, v3, vm0, $0xb8;
	[tilespmem:$0x18400] =	vst v63  }
0x11b: {  	v3 =	vld [tilespmem:$0x170];
	_ =	sdelay $0x4  }
0x11c: {  	v23 =	vshll.u32 v3, $0x1  }
0x11d: {  	v3 =	vand.u32 $0x7, v3;
	v4 =	vand.u32 $0xFFFFFFF0, v23  }
0x11e: {  	v3 =	vor.u32 v3, v4  }
0x11f: {  	v4 =	vperm.xlane v3, v0;
	_ =	sdelay $0x1  }
0x120: {  	v3 =	vperm.xlane v3, v2;
	v4 =	vadd.s32 v1, v4;
	_ =	sdelay $0x1  }
0x121: {  	v3 =	vadd.s32 v1, v3;
	_ =	sdelay $0x2  }
0x122: {  	[tilespmem:s29], [sflag:$0x4] =	stream.indirect_vreg.gather [hbm4b:s2+s3], $0x80, v4, vm0, $0xb8;
	[tilespmem:$0x18400] =	vst v63  }
0x123: {  	_ = 	snop  }
0x124: {  	[tilespmem:s30], [sflag:$0x4] =	stream.indirect_vreg.gather [hbm4b:s2+s3], $0x80, v3, vm0, $0xb8;
	[tilespmem:$0x18400] =	vst v63  }
0x125: {  	_ =	swait.ge [sflag:s13], $0x8000  }
0x126: {  	[sflag:s13] =	ssyncset.done $0x0  }
0x127: {  	s19 =	rddreg [dreg:$0x7];
	[sflag:s13] =	ssyncadd.s32 $0xFFFF8000  }
0x128: {  	[hbm4b:s19+s3] =	stream.linear.scatter [tilespmem:s6], [sflag:$0x5], $0x8000, $0x38;
	[tilespmem:$0x18400] =	vst v63  }
0x129: {  	_ =	swait.ge [sflag:s14], $0x8000  }
0x12a: {  	[sflag:s14] =	ssyncset.done $0x0  }
0x12b: {  	[sflag:s14] =	ssyncadd.s32 $0xFFFF8000  }
0x12c: {  	v3 =	vld [tilespmem:$0x180];
	_ =	sdelay $0x4  }
0x12d: {  	v24 =	vshll.u32 v3, $0x1  }
0x12e: {  	v3 =	vand.u32 $0x7, v3;
	v4 =	vand.u32 $0xFFFFFFF0, v24  }
0x12f: {  	v3 =	vor.u32 v3, v4  }
0x130: {  	v4 =	vperm.xlane v3, v0;
	_ =	sdelay $0x1  }
0x131: {  	v3 =	vperm.xlane v3, v2;
	v4 =	vadd.s32 v1, v4;
	_ =	sdelay $0x1  }
0x132: {  	v3 =	vadd.s32 v1, v3;
	_ =	sdelay $0x2  }
0x133: {  	[tilespmem:s6], [sflag:$0x2] =	stream.indirect_vreg.gather [hbm4b:s2+s3], $0x80, v4, vm0, $0xb8;
	[tilespmem:$0x18400] =	vst v63  }
0x134: {  	_ = 	snop  }
0x135: {  	[tilespmem:s20], [sflag:$0x2] =	stream.indirect_vreg.gather [hbm4b:s2+s3], $0x80, v3, vm0, $0xb8;
	[tilespmem:$0x18400] =	vst v63  }
0x136: {  	v3 =	vld [tilespmem:$0x190];
	_ =	sdelay $0x4  }
0x137: {  	v25 =	vshll.u32 v3, $0x1  }
0x138: {  	v3 =	vand.u32 $0x7, v3;
	v4 =	vand.u32 $0xFFFFFFF0, v25  }
0x139: {  	v3 =	vor.u32 v3, v4  }
0x13a: {  	v4 =	vperm.xlane v3, v0;
	_ =	sdelay $0x1  }
0x13b: {  	v3 =	vperm.xlane v3, v2;
	v4 =	vadd.s32 v1, v4;
	_ =	sdelay $0x1  }
0x13c: {  	v3 =	vadd.s32 v1, v3;
	_ =	sdelay $0x2  }
0x13d: {  	[tilespmem:s21], [sflag:$0x2] =	stream.indirect_vreg.gather [hbm4b:s2+s3], $0x80, v4, vm0, $0xb8;
	[tilespmem:$0x18400] =	vst v63  }
0x13e: {  	s19 =	simm.s32 $0x1C00  }
0x13f: {  	[tilespmem:s19], [sflag:$0x2] =	stream.indirect_vreg.gather [hbm4b:s2+s3], $0x80, v3, vm0, $0xb8;
	[tilespmem:$0x18400] =	vst v63  }
0x140: {  	v3 =	vld [tilespmem:$0x1A0];
	_ =	sdelay $0x4  }
0x141: {  	v26 =	vshll.u32 v3, $0x1  }
0x142: {  	v3 =	vand.u32 $0x7, v3;
	v4 =	vand.u32 $0xFFFFFFF0, v26  }
0x143: {  	v3 =	vor.u32 v3, v4  }
0x144: {  	v4 =	vperm.xlane v3, v0;
	_ =	sdelay $0x1  }
0x145: {  	v3 =	vperm.xlane v3, v2;
	v4 =	vadd.s32 v1, v4;
	_ =	sdelay $0x1  }
0x146: {  	v3 =	vadd.s32 v1, v3;
	_ =	sdelay $0x1  }
0x147: {  	s19 =	simm.s32 $0x2400  }
0x148: {  	[tilespmem:s19], [sflag:$0x2] =	stream.indirect_vreg.gather [hbm4b:s2+s3], $0x80, v4, vm0, $0xb8;
	[tilespmem:$0x18400] =	vst v63  }
0x149: {  	s19 =	simm.s32 $0x2C00  }
0x14a: {  	[tilespmem:s19], [sflag:$0x2] =	stream.indirect_vreg.gather [hbm4b:s2+s3], $0x80, v3, vm0, $0xb8;
	[tilespmem:$0x18400] =	vst v63  }
0x14b: {  	v3 =	vld [tilespmem:$0x1B0];
	_ =	sdelay $0x4  }
0x14c: {  	v27 =	vshll.u32 v3, $0x1  }
0x14d: {  	v3 =	vand.u32 $0x7, v3;
	v4 =	vand.u32 $0xFFFFFFF0, v27  }
0x14e: {  	v3 =	vor.u32 v3, v4  }
0x14f: {  	v4 =	vperm.xlane v3, v0;
	_ =	sdelay $0x1  }
0x150: {  	v3 =	vperm.xlane v3, v2;
	v4 =	vadd.s32 v1, v4;
	_ =	sdelay $0x1  }
0x151: {  	v3 =	vadd.s32 v1, v3;
	_ =	sdelay $0x1  }
0x152: {  	s19 =	simm.s32 $0x3400  }
0x153: {  	[tilespmem:s19], [sflag:$0x2] =	stream.indirect_vreg.gather [hbm4b:s2+s3], $0x80, v4, vm0, $0xb8;
	[tilespmem:$0x18400] =	vst v63  }
0x154: {  	s19 =	simm.s32 $0x3C00  }
0x155: {  	[tilespmem:s19], [sflag:$0x2] =	stream.indirect_vreg.gather [hbm4b:s2+s3], $0x80, v3, vm0, $0xb8;
	[tilespmem:$0x18400] =	vst v63  }
0x156: {  	v3 =	vld [tilespmem:$0x1C0];
	_ =	sdelay $0x4  }
0x157: {  	v28 =	vshll.u32 v3, $0x1  }
0x158: {  	v3 =	vand.u32 $0x7, v3;
	v4 =	vand.u32 $0xFFFFFFF0, v28  }
0x159: {  	v3 =	vor.u32 v3, v4  }
0x15a: {  	v4 =	vperm.xlane v3, v0;
	_ =	sdelay $0x1  }
0x15b: {  	v3 =	vperm.xlane v3, v2;
	v4 =	vadd.s32 v1, v4;
	_ =	sdelay $0x1  }
0x15c: {  	v3 =	vadd.s32 v1, v3;
	_ =	sdelay $0x1  }
0x15d: {  	s19 =	simm.s32 $0x4400  }
0x15e: {  	[tilespmem:s19], [sflag:$0x2] =	stream.indirect_vreg.gather [hbm4b:s2+s3], $0x80, v4, vm0, $0xb8;
	[tilespmem:$0x18400] =	vst v63  }
0x15f: {  	s19 =	simm.s32 $0x4C00  }
0x160: {  	[tilespmem:s19], [sflag:$0x2] =	stream.indirect_vreg.gather [hbm4b:s2+s3], $0x80, v3, vm0, $0xb8;
	[tilespmem:$0x18400] =	vst v63  }
0x161: {  	v3 =	vld [tilespmem:$0x1D0];
	_ =	sdelay $0x4  }
0x162: {  	v29 =	vshll.u32 v3, $0x1  }
0x163: {  	v3 =	vand.u32 $0x7, v3;
	v4 =	vand.u32 $0xFFFFFFF0, v29  }
0x164: {  	v3 =	vor.u32 v3, v4  }
0x165: {  	v4 =	vperm.xlane v3, v0;
	_ =	sdelay $0x1  }
0x166: {  	v3 =	vperm.xlane v3, v2;
	v4 =	vadd.s32 v1, v4;
	_ =	sdelay $0x1  }
0x167: {  	v3 =	vadd.s32 v1, v3;
	_ =	sdelay $0x1  }
0x168: {  	s19 =	simm.s32 $0x5400  }
0x169: {  	[tilespmem:s19], [sflag:$0x2] =	stream.indirect_vreg.gather [hbm4b:s2+s3], $0x80, v4, vm0, $0xb8;
	[tilespmem:$0x18400] =	vst v63  }
0x16a: {  	s19 =	simm.s32 $0x5C00  }
0x16b: {  	[tilespmem:s19], [sflag:$0x2] =	stream.indirect_vreg.gather [hbm4b:s2+s3], $0x80, v3, vm0, $0xb8;
	[tilespmem:$0x18400] =	vst v63  }
0x16c: {  	v3 =	vld [tilespmem:$0x1E0];
	_ =	sdelay $0x4  }
0x16d: {  	v30 =	vshll.u32 v3, $0x1  }
0x16e: {  	v3 =	vand.u32 $0x7, v3;
	v4 =	vand.u32 $0xFFFFFFF0, v30  }
0x16f: {  	v3 =	vor.u32 v3, v4  }
0x170: {  	v4 =	vperm.xlane v3, v0;
	_ =	sdelay $0x1  }
0x171: {  	v3 =	vperm.xlane v3, v2;
	v4 =	vadd.s32 v1, v4;
	_ =	sdelay $0x1  }
0x172: {  	v3 =	vadd.s32 v1, v3;
	_ =	sdelay $0x1  }
0x173: {  	s19 =	simm.s32 $0x6400  }
0x174: {  	[tilespmem:s19], [sflag:$0x2] =	stream.indirect_vreg.gather [hbm4b:s2+s3], $0x80, v4, vm0, $0xb8;
	[tilespmem:$0x18400] =	vst v63  }
0x175: {  	s19 =	simm.s32 $0x6C00  }
0x176: {  	[tilespmem:s19], [sflag:$0x2] =	stream.indirect_vreg.gather [hbm4b:s2+s3], $0x80, v3, vm0, $0xb8;
	[tilespmem:$0x18400] =	vst v63  }
0x177: {  	v3 =	vld [tilespmem:$0x1F0];
	_ =	sdelay $0x4  }
0x178: {  	v31 =	vshll.u32 v3, $0x1  }
0x179: {  	v3 =	vand.u32 $0x7, v3;
	v4 =	vand.u32 $0xFFFFFFF0, v31  }
0x17a: {  	v3 =	vor.u32 v3, v4  }
0x17b: {  	v4 =	vperm.xlane v3, v0;
	_ =	sdelay $0x1  }
0x17c: {  	v3 =	vperm.xlane v3, v2;
	v4 =	vadd.s32 v1, v4;
	_ =	sdelay $0x1  }
0x17d: {  	v3 =	vadd.s32 v1, v3;
	_ =	sdelay $0x1  }
0x17e: {  	s19 =	simm.s32 $0x7400  }
0x17f: {  	[tilespmem:s19], [sflag:$0x2] =	stream.indirect_vreg.gather [hbm4b:s2+s3], $0x80, v4, vm0, $0xb8;
	[tilespmem:$0x18400] =	vst v63  }
0x180: {  	s19 =	simm.s32 $0x7C00  }
0x181: {  	[tilespmem:s19], [sflag:$0x2] =	stream.indirect_vreg.gather [hbm4b:s2+s3], $0x80, v3, vm0, $0xb8;
	[tilespmem:$0x18400] =	vst v63  }
0x182: {  	_ =	swait.ge [sflag:s15], $0x8000  }
0x183: {  	[sflag:s15] =	ssyncset.done $0x0  }
0x184: {  	s19 =	rddreg [dreg:$0x8];
	[sflag:s15] =	ssyncadd.s32 $0xFFFF8000  }
0x185: {  	[hbm4b:s19+s3] =	stream.linear.scatter [tilespmem:s22], [sflag:$0x6], $0x8000, $0x38;
	[tilespmem:$0x18400] =	vst v63  }
0x186: {  	_ =	swait.ge [sflag:s16], $0x8000  }
0x187: {  	[sflag:s16] =	ssyncset.done $0x0  }
0x188: {  	[sflag:s16] =	ssyncadd.s32 $0xFFFF8000  }
0x189: {  	v3 =	vld [tilespmem:$0x200];
	_ =	sdelay $0x4  }
0x18a: {  	v32 =	vshll.u32 v3, $0x1  }
0x18b: {  	v3 =	vand.u32 $0x7, v3;
	v4 =	vand.u32 $0xFFFFFFF0, v32  }
0x18c: {  	v3 =	vor.u32 v3, v4  }
0x18d: {  	v4 =	vperm.xlane v3, v0;
	_ =	sdelay $0x1  }
0x18e: {  	v3 =	vperm.xlane v3, v2;
	v4 =	vadd.s32 v1, v4;
	_ =	sdelay $0x1  }
0x18f: {  	v3 =	vadd.s32 v1, v3;
	_ =	sdelay $0x2  }
0x190: {  	[tilespmem:s22], [sflag:$0x3] =	stream.indirect_vreg.gather [hbm4b:s2+s3], $0x80, v4, vm0, $0xb8;
	[tilespmem:$0x18400] =	vst v63  }
0x191: {  	s19 =	simm.s32 $0x8C00  }
0x192: {  	[tilespmem:s19], [sflag:$0x3] =	stream.indirect_vreg.gather [hbm4b:s2+s3], $0x80, v3, vm0, $0xb8;
	[tilespmem:$0x18400] =	vst v63  }
0x193: {  	v3 =	vld [tilespmem:$0x210];
	_ =	sdelay $0x4  }
0x194: {  	v33 =	vshll.u32 v3, $0x1  }
0x195: {  	v3 =	vand.u32 $0x7, v3;
	v4 =	vand.u32 $0xFFFFFFF0, v33  }
0x196: {  	v3 =	vor.u32 v3, v4  }
0x197: {  	v4 =	vperm.xlane v3, v0;
	_ =	sdelay $0x1  }
0x198: {  	v3 =	vperm.xlane v3, v2;
	v4 =	vadd.s32 v1, v4;
	_ =	sdelay $0x1  }
0x199: {  	v3 =	vadd.s32 v1, v3;
	_ =	sdelay $0x1  }
0x19a: {  	s19 =	simm.s32 $0x9400  }
0x19b: {  	[tilespmem:s19], [sflag:$0x3] =	stream.indirect_vreg.gather [hbm4b:s2+s3], $0x80, v4, vm0, $0xb8;
	[tilespmem:$0x18400] =	vst v63  }
0x19c: {  	s19 =	simm.s32 $0x9C00  }
0x19d: {  	[tilespmem:s19], [sflag:$0x3] =	stream.indirect_vreg.gather [hbm4b:s2+s3], $0x80, v3, vm0, $0xb8;
	[tilespmem:$0x18400] =	vst v63  }
0x19e: {  	v3 =	vld [tilespmem:$0x220];
	_ =	sdelay $0x4  }
0x19f: {  	v34 =	vshll.u32 v3, $0x1  }
0x1a0: {  	v3 =	vand.u32 $0x7, v3;
	v4 =	vand.u32 $0xFFFFFFF0, v34  }
0x1a1: {  	v3 =	vor.u32 v3, v4  }
0x1a2: {  	v4 =	vperm.xlane v3, v0;
	_ =	sdelay $0x1  }
0x1a3: {  	v3 =	vperm.xlane v3, v2;
	v4 =	vadd.s32 v1, v4;
	_ =	sdelay $0x1  }
0x1a4: {  	v3 =	vadd.s32 v1, v3;
	_ =	sdelay $0x1  }
0x1a5: {  	s19 =	simm.s32 $0xA400  }
0x1a6: {  	[tilespmem:s19], [sflag:$0x3] =	stream.indirect_vreg.gather [hbm4b:s2+s3], $0x80, v4, vm0, $0xb8;
	[tilespmem:$0x18400] =	vst v63  }
0x1a7: {  	s19 =	simm.s32 $0xAC00  }
0x1a8: {  	[tilespmem:s19], [sflag:$0x3] =	stream.indirect_vreg.gather [hbm4b:s2+s3], $0x80, v3, vm0, $0xb8;
	[tilespmem:$0x18400] =	vst v63  }
0x1a9: {  	v3 =	vld [tilespmem:$0x230];
	_ =	sdelay $0x4  }
0x1aa: {  	v35 =	vshll.u32 v3, $0x1  }
0x1ab: {  	v3 =	vand.u32 $0x7, v3;
	v4 =	vand.u32 $0xFFFFFFF0, v35  }
0x1ac: {  	v3 =	vor.u32 v3, v4  }
0x1ad: {  	v4 =	vperm.xlane v3, v0;
	_ =	sdelay $0x1  }
0x1ae: {  	v3 =	vperm.xlane v3, v2;
	v4 =	vadd.s32 v1, v4;
	_ =	sdelay $0x1  }
0x1af: {  	v3 =	vadd.s32 v1, v3;
	_ =	sdelay $0x1  }
0x1b0: {  	s19 =	simm.s32 $0xB400  }
0x1b1: {  	[tilespmem:s19], [sflag:$0x3] =	stream.indirect_vreg.gather [hbm4b:s2+s3], $0x80, v4, vm0, $0xb8;
	[tilespmem:$0x18400] =	vst v63  }
0x1b2: {  	s19 =	simm.s32 $0xBC00  }
0x1b3: {  	[tilespmem:s19], [sflag:$0x3] =	stream.indirect_vreg.gather [hbm4b:s2+s3], $0x80, v3, vm0, $0xb8;
	[tilespmem:$0x18400] =	vst v63  }
0x1b4: {  	v3 =	vld [tilespmem:$0x240];
	_ =	sdelay $0x4  }
0x1b5: {  	v36 =	vshll.u32 v3, $0x1  }
0x1b6: {  	v3 =	vand.u32 $0x7, v3;
	v4 =	vand.u32 $0xFFFFFFF0, v36  }
0x1b7: {  	v3 =	vor.u32 v3, v4  }
0x1b8: {  	v4 =	vperm.xlane v3, v0;
	_ =	sdelay $0x1  }
0x1b9: {  	v3 =	vperm.xlane v3, v2;
	v4 =	vadd.s32 v1, v4;
	_ =	sdelay $0x1  }
0x1ba: {  	v3 =	vadd.s32 v1, v3;
	_ =	sdelay $0x1  }
0x1bb: {  	s19 =	simm.s32 $0xC400  }
0x1bc: {  	[tilespmem:s19], [sflag:$0x3] =	stream.indirect_vreg.gather [hbm4b:s2+s3], $0x80, v4, vm0, $0xb8;
	[tilespmem:$0x18400] =	vst v63  }
0x1bd: {  	s19 =	simm.s32 $0xCC00  }
0x1be: {  	[tilespmem:s19], [sflag:$0x3] =	stream.indirect_vreg.gather [hbm4b:s2+s3], $0x80, v3, vm0, $0xb8;
	[tilespmem:$0x18400] =	vst v63  }
0x1bf: {  	v3 =	vld [tilespmem:$0x250];
	_ =	sdelay $0x4  }
0x1c0: {  	v37 =	vshll.u32 v3, $0x1  }
0x1c1: {  	v3 =	vand.u32 $0x7, v3;
	v4 =	vand.u32 $0xFFFFFFF0, v37  }
0x1c2: {  	v3 =	vor.u32 v3, v4  }
0x1c3: {  	v4 =	vperm.xlane v3, v0;
	_ =	sdelay $0x1  }
0x1c4: {  	v3 =	vperm.xlane v3, v2;
	v4 =	vadd.s32 v1, v4;
	_ =	sdelay $0x1  }
0x1c5: {  	v3 =	vadd.s32 v1, v3;
	_ =	sdelay $0x1  }
0x1c6: {  	s19 =	simm.s32 $0xD400  }
0x1c7: {  	[tilespmem:s19], [sflag:$0x3] =	stream.indirect_vreg.gather [hbm4b:s2+s3], $0x80, v4, vm0, $0xb8;
	[tilespmem:$0x18400] =	vst v63  }
0x1c8: {  	s19 =	simm.s32 $0xDC00  }
0x1c9: {  	[tilespmem:s19], [sflag:$0x3] =	stream.indirect_vreg.gather [hbm4b:s2+s3], $0x80, v3, vm0, $0xb8;
	[tilespmem:$0x18400] =	vst v63  }
0x1ca: {  	v3 =	vld [tilespmem:$0x260];
	_ =	sdelay $0x4  }
0x1cb: {  	v38 =	vshll.u32 v3, $0x1  }
0x1cc: {  	v3 =	vand.u32 $0x7, v3;
	v4 =	vand.u32 $0xFFFFFFF0, v38  }
0x1cd: {  	v3 =	vor.u32 v3, v4  }
0x1ce: {  	v4 =	vperm.xlane v3, v0;
	_ =	sdelay $0x1  }
0x1cf: {  	v3 =	vperm.xlane v3, v2;
	v4 =	vadd.s32 v1, v4;
	_ =	sdelay $0x1  }
0x1d0: {  	v3 =	vadd.s32 v1, v3;
	_ =	sdelay $0x1  }
0x1d1: {  	s19 =	simm.s32 $0xE400  }
0x1d2: {  	[tilespmem:s19], [sflag:$0x3] =	stream.indirect_vreg.gather [hbm4b:s2+s3], $0x80, v4, vm0, $0xb8;
	[tilespmem:$0x18400] =	vst v63  }
0x1d3: {  	s19 =	simm.s32 $0xEC00  }
0x1d4: {  	[tilespmem:s19], [sflag:$0x3] =	stream.indirect_vreg.gather [hbm4b:s2+s3], $0x80, v3, vm0, $0xb8;
	[tilespmem:$0x18400] =	vst v63  }
0x1d5: {  	v3 =	vld [tilespmem:$0x270];
	_ =	sdelay $0x4  }
0x1d6: {  	v39 =	vshll.u32 v3, $0x1  }
0x1d7: {  	v3 =	vand.u32 $0x7, v3;
	v4 =	vand.u32 $0xFFFFFFF0, v39  }
0x1d8: {  	v3 =	vor.u32 v3, v4  }
0x1d9: {  	v4 =	vperm.xlane v3, v0;
	_ =	sdelay $0x1  }
0x1da: {  	v3 =	vperm.xlane v3, v2;
	v4 =	vadd.s32 v1, v4;
	_ =	sdelay $0x1  }
0x1db: {  	v3 =	vadd.s32 v1, v3;
	_ =	sdelay $0x1  }
0x1dc: {  	s19 =	simm.s32 $0xF400  }
0x1dd: {  	[tilespmem:s19], [sflag:$0x3] =	stream.indirect_vreg.gather [hbm4b:s2+s3], $0x80, v4, vm0, $0xb8;
	[tilespmem:$0x18400] =	vst v63  }
0x1de: {  	s19 =	simm.s32 $0xFC00  }
0x1df: {  	[tilespmem:s19], [sflag:$0x3] =	stream.indirect_vreg.gather [hbm4b:s2+s3], $0x80, v3, vm0, $0xb8;
	[tilespmem:$0x18400] =	vst v63  }
0x1e0: {  	_ =	swait.ge [sflag:s17], $0x8000  }
0x1e1: {  	[sflag:s17] =	ssyncset.done $0x0  }
0x1e2: {  	s19 =	rddreg [dreg:$0x9];
	[sflag:s17] =	ssyncadd.s32 $0xFFFF8000  }
0x1e3: {  	[hbm4b:s19+s3] =	stream.linear.scatter [tilespmem:s0], [sflag:$0x7], $0x8000, $0x38;
	[tilespmem:$0x18400] =	vst v63  }
0x1e4: {  	_ =	swait.ge [sflag:s18], $0x8000  }
0x1e5: {  	[sflag:s18] =	ssyncset.done $0x0  }
0x1e6: {  	[sflag:s18] =	ssyncadd.s32 $0xFFFF8000  }
0x1e7: {  	v3 =	vld [tilespmem:$0x280];
	_ =	sdelay $0x4  }
0x1e8: {  	v40 =	vshll.u32 v3, $0x1  }
0x1e9: {  	v3 =	vand.u32 $0x7, v3;
	v4 =	vand.u32 $0xFFFFFFF0, v40  }
0x1ea: {  	v3 =	vor.u32 v3, v4  }
0x1eb: {  	v4 =	vperm.xlane v3, v0;
	_ =	sdelay $0x1  }
0x1ec: {  	v3 =	vperm.xlane v3, v2;
	v4 =	vadd.s32 v1, v4;
	_ =	sdelay $0x1  }
0x1ed: {  	v3 =	vadd.s32 v1, v3;
	_ =	sdelay $0x2  }
0x1ee: {  	[tilespmem:s0], [sflag:$0x4] =	stream.indirect_vreg.gather [hbm4b:s2+s3], $0x80, v4, vm0, $0xb8;
	[tilespmem:$0x18400] =	vst v63  }
0x1ef: {  	_ = 	snop  }
0x1f0: {  	[tilespmem:s5], [sflag:$0x4] =	stream.indirect_vreg.gather [hbm4b:s2+s3], $0x80, v3, vm0, $0xb8;
	[tilespmem:$0x18400] =	vst v63  }
0x1f1: {  	v3 =	vld [tilespmem:$0x290];
	_ =	sdelay $0x4  }
0x1f2: {  	v41 =	vshll.u32 v3, $0x1  }
0x1f3: {  	v3 =	vand.u32 $0x7, v3;
	v4 =	vand.u32 $0xFFFFFFF0, v41  }
0x1f4: {  	v3 =	vor.u32 v3, v4  }
0x1f5: {  	v4 =	vperm.xlane v3, v0;
	_ =	sdelay $0x1  }
0x1f6: {  	v3 =	vperm.xlane v3, v2;
	v4 =	vadd.s32 v1, v4;
	_ =	sdelay $0x1  }
0x1f7: {  	v3 =	vadd.s32 v1, v3;
	_ =	sdelay $0x2  }
0x1f8: {  	[tilespmem:s11], [sflag:$0x4] =	stream.indirect_vreg.gather [hbm4b:s2+s3], $0x80, v4, vm0, $0xb8;
	[tilespmem:$0x18400] =	vst v63  }
0x1f9: {  	_ = 	snop  }
0x1fa: {  	[tilespmem:s12], [sflag:$0x4] =	stream.indirect_vreg.gather [hbm4b:s2+s3], $0x80, v3, vm0, $0xb8;
	[tilespmem:$0x18400] =	vst v63  }
0x1fb: {  	v3 =	vld [tilespmem:$0x2A0];
	_ =	sdelay $0x4  }
0x1fc: {  	v42 =	vshll.u32 v3, $0x1  }
0x1fd: {  	v3 =	vand.u32 $0x7, v3;
	v4 =	vand.u32 $0xFFFFFFF0, v42  }
0x1fe: {  	v3 =	vor.u32 v3, v4  }
0x1ff: {  	v4 =	vperm.xlane v3, v0;
	_ =	sdelay $0x1  }
0x200: {  	v3 =	vperm.xlane v3, v2;
	v4 =	vadd.s32 v1, v4;
	_ =	sdelay $0x1  }
0x201: {  	v3 =	vadd.s32 v1, v3;
	_ =	sdelay $0x2  }
0x202: {  	[tilespmem:s1], [sflag:$0x4] =	stream.indirect_vreg.gather [hbm4b:s2+s3], $0x80, v4, vm0, $0xb8;
	[tilespmem:$0x18400] =	vst v63  }
0x203: {  	_ = 	snop  }
0x204: {  	[tilespmem:s7], [sflag:$0x4] =	stream.indirect_vreg.gather [hbm4b:s2+s3], $0x80, v3, vm0, $0xb8;
	[tilespmem:$0x18400] =	vst v63  }
0x205: {  	v3 =	vld [tilespmem:$0x2B0];
	_ =	sdelay $0x4  }
0x206: {  	v43 =	vshll.u32 v3, $0x1  }
0x207: {  	v3 =	vand.u32 $0x7, v3;
	v4 =	vand.u32 $0xFFFFFFF0, v43  }
0x208: {  	v3 =	vor.u32 v3, v4  }
0x209: {  	v4 =	vperm.xlane v3, v0;
	_ =	sdelay $0x1  }
0x20a: {  	v3 =	vperm.xlane v3, v2;
	v4 =	vadd.s32 v1, v4;
	_ =	sdelay $0x1  }
0x20b: {  	v3 =	vadd.s32 v1, v3;
	_ =	sdelay $0x2  }
0x20c: {  	[tilespmem:s8], [sflag:$0x4] =	stream.indirect_vreg.gather [hbm4b:s2+s3], $0x80, v4, vm0, $0xb8;
	[tilespmem:$0x18400] =	vst v63  }
0x20d: {  	_ = 	snop  }
0x20e: {  	[tilespmem:s9], [sflag:$0x4] =	stream.indirect_vreg.gather [hbm4b:s2+s3], $0x80, v3, vm0, $0xb8;
	[tilespmem:$0x18400] =	vst v63  }
0x20f: {  	v3 =	vld [tilespmem:$0x2C0];
	_ =	sdelay $0x4  }
0x210: {  	v44 =	vshll.u32 v3, $0x1  }
0x211: {  	v3 =	vand.u32 $0x7, v3;
	v4 =	vand.u32 $0xFFFFFFF0, v44  }
0x212: {  	v3 =	vor.u32 v3, v4  }
0x213: {  	v4 =	vperm.xlane v3, v0;
	_ =	sdelay $0x1  }
0x214: {  	v3 =	vperm.xlane v3, v2;
	v4 =	vadd.s32 v1, v4;
	_ =	sdelay $0x1  }
0x215: {  	v3 =	vadd.s32 v1, v3;
	_ =	sdelay $0x2  }
0x216: {  	[tilespmem:s10], [sflag:$0x4] =	stream.indirect_vreg.gather [hbm4b:s2+s3], $0x80, v4, vm0, $0xb8;
	[tilespmem:$0x18400] =	vst v63  }
0x217: {  	_ = 	snop  }
0x218: {  	[tilespmem:s23], [sflag:$0x4] =	stream.indirect_vreg.gather [hbm4b:s2+s3], $0x80, v3, vm0, $0xb8;
	[tilespmem:$0x18400] =	vst v63  }
0x219: {  	v3 =	vld [tilespmem:$0x2D0];
	_ =	sdelay $0x4  }
0x21a: {  	v45 =	vshll.u32 v3, $0x1  }
0x21b: {  	v3 =	vand.u32 $0x7, v3;
	v4 =	vand.u32 $0xFFFFFFF0, v45  }
0x21c: {  	v3 =	vor.u32 v3, v4  }
0x21d: {  	v4 =	vperm.xlane v3, v0;
	_ =	sdelay $0x1  }
0x21e: {  	v3 =	vperm.xlane v3, v2;
	v4 =	vadd.s32 v1, v4;
	_ =	sdelay $0x1  }
0x21f: {  	v3 =	vadd.s32 v1, v3;
	_ =	sdelay $0x2  }
0x220: {  	[tilespmem:s24], [sflag:$0x4] =	stream.indirect_vreg.gather [hbm4b:s2+s3], $0x80, v4, vm0, $0xb8;
	[tilespmem:$0x18400] =	vst v63  }
0x221: {  	_ = 	snop  }
0x222: {  	[tilespmem:s25], [sflag:$0x4] =	stream.indirect_vreg.gather [hbm4b:s2+s3], $0x80, v3, vm0, $0xb8;
	[tilespmem:$0x18400] =	vst v63  }
0x223: {  	v3 =	vld [tilespmem:$0x2E0];
	_ =	sdelay $0x4  }
0x224: {  	v46 =	vshll.u32 v3, $0x1  }
0x225: {  	v3 =	vand.u32 $0x7, v3;
	v4 =	vand.u32 $0xFFFFFFF0, v46  }
0x226: {  	v3 =	vor.u32 v3, v4  }
0x227: {  	v4 =	vperm.xlane v3, v0;
	_ =	sdelay $0x1  }
0x228: {  	v3 =	vperm.xlane v3, v2;
	v4 =	vadd.s32 v1, v4;
	_ =	sdelay $0x1  }
0x229: {  	v3 =	vadd.s32 v1, v3;
	_ =	sdelay $0x2  }
0x22a: {  	[tilespmem:s26], [sflag:$0x4] =	stream.indirect_vreg.gather [hbm4b:s2+s3], $0x80, v4, vm0, $0xb8;
	[tilespmem:$0x18400] =	vst v63  }
0x22b: {  	_ = 	snop  }
0x22c: {  	[tilespmem:s28], [sflag:$0x4] =	stream.indirect_vreg.gather [hbm4b:s2+s3], $0x80, v3, vm0, $0xb8;
	[tilespmem:$0x18400] =	vst v63  }
0x22d: {  	v3 =	vld [tilespmem:$0x2F0];
	_ =	sdelay $0x4  }
0x22e: {  	v47 =	vshll.u32 v3, $0x1  }
0x22f: {  	v3 =	vand.u32 $0x7, v3;
	v4 =	vand.u32 $0xFFFFFFF0, v47  }
0x230: {  	v3 =	vor.u32 v3, v4  }
0x231: {  	v4 =	vperm.xlane v3, v0;
	_ =	sdelay $0x1  }
0x232: {  	v3 =	vperm.xlane v3, v2;
	v4 =	vadd.s32 v1, v4;
	_ =	sdelay $0x1  }
0x233: {  	v3 =	vadd.s32 v1, v3;
	_ =	sdelay $0x2  }
0x234: {  	[tilespmem:s29], [sflag:$0x4] =	stream.indirect_vreg.gather [hbm4b:s2+s3], $0x80, v4, vm0, $0xb8;
	[tilespmem:$0x18400] =	vst v63  }
0x235: {  	_ = 	snop  }
0x236: {  	[tilespmem:s30], [sflag:$0x4] =	stream.indirect_vreg.gather [hbm4b:s2+s3], $0x80, v3, vm0, $0xb8;
	[tilespmem:$0x18400] =	vst v63  }
0x237: {  	_ =	swait.ge [sflag:s13], $0x8000  }
0x238: {  	[sflag:s13] =	ssyncset.done $0x0  }
0x239: {  	s1 =	rddreg [dreg:$0xa];
	[sflag:s13] =	ssyncadd.s32 $0xFFFF8000  }
0x23a: {  	[hbm4b:s1+s3] =	stream.linear.scatter [tilespmem:s6], [sflag:$0x5], $0x8000, $0x38;
	[tilespmem:$0x18400] =	vst v63  }
0x23b: {  	_ =	swait.ge [sflag:s14], $0x8000  }
0x23c: {  	[sflag:s14] =	ssyncset.done $0x0  }
0x23d: {  	[sflag:s14] =	ssyncadd.s32 $0xFFFF8000  }
0x23e: {  	v3 =	vld [tilespmem:$0x300];
	_ =	sdelay $0x4  }
0x23f: {  	v48 =	vshll.u32 v3, $0x1  }
0x240: {  	v3 =	vand.u32 $0x7, v3;
	v4 =	vand.u32 $0xFFFFFFF0, v48  }
0x241: {  	v3 =	vor.u32 v3, v4  }
0x242: {  	v4 =	vperm.xlane v3, v0;
	_ =	sdelay $0x1  }
0x243: {  	v3 =	vperm.xlane v3, v2;
	v4 =	vadd.s32 v1, v4;
	_ =	sdelay $0x1  }
0x244: {  	v3 =	vadd.s32 v1, v3;
	_ =	sdelay $0x2  }
0x245: {  	[tilespmem:s6], [sflag:$0x2] =	stream.indirect_vreg.gather [hbm4b:s2+s3], $0x80, v4, vm0, $0xb8;
	[tilespmem:$0x18400] =	vst v63  }
0x246: {  	_ = 	snop  }
0x247: {  	[tilespmem:s20], [sflag:$0x2] =	stream.indirect_vreg.gather [hbm4b:s2+s3], $0x80, v3, vm0, $0xb8;
	[tilespmem:$0x18400] =	vst v63  }
0x248: {  	v3 =	vld [tilespmem:$0x310];
	_ =	sdelay $0x4  }
0x249: {  	v49 =	vshll.u32 v3, $0x1  }
0x24a: {  	v3 =	vand.u32 $0x7, v3;
	v4 =	vand.u32 $0xFFFFFFF0, v49  }
0x24b: {  	v3 =	vor.u32 v3, v4  }
0x24c: {  	v4 =	vperm.xlane v3, v0;
	_ =	sdelay $0x1  }
0x24d: {  	v3 =	vperm.xlane v3, v2;
	v4 =	vadd.s32 v1, v4;
	_ =	sdelay $0x1  }
0x24e: {  	v3 =	vadd.s32 v1, v3;
	_ =	sdelay $0x2  }
0x24f: {  	[tilespmem:s21], [sflag:$0x2] =	stream.indirect_vreg.gather [hbm4b:s2+s3], $0x80, v4, vm0, $0xb8;
	[tilespmem:$0x18400] =	vst v63  }
0x250: {  	s21 =	simm.s32 $0x1C00  }
0x251: {  	[tilespmem:s21], [sflag:$0x2] =	stream.indirect_vreg.gather [hbm4b:s2+s3], $0x80, v3, vm0, $0xb8;
	[tilespmem:$0x18400] =	vst v63  }
0x252: {  	v3 =	vld [tilespmem:$0x320];
	_ =	sdelay $0x4  }
0x253: {  	v50 =	vshll.u32 v3, $0x1  }
0x254: {  	v3 =	vand.u32 $0x7, v3;
	v4 =	vand.u32 $0xFFFFFFF0, v50  }
0x255: {  	v3 =	vor.u32 v3, v4  }
0x256: {  	v4 =	vperm.xlane v3, v0;
	_ =	sdelay $0x1  }
0x257: {  	v3 =	vperm.xlane v3, v2;
	v4 =	vadd.s32 v1, v4;
	_ =	sdelay $0x1  }
0x258: {  	v3 =	vadd.s32 v1, v3;
	_ =	sdelay $0x1  }
0x259: {  	s19 =	simm.s32 $0x2400  }
0x25a: {  	[tilespmem:s19], [sflag:$0x2] =	stream.indirect_vreg.gather [hbm4b:s2+s3], $0x80, v4, vm0, $0xb8;
	[tilespmem:$0x18400] =	vst v63  }
0x25b: {  	s20 =	simm.s32 $0x2C00  }
0x25c: {  	[tilespmem:s20], [sflag:$0x2] =	stream.indirect_vreg.gather [hbm4b:s2+s3], $0x80, v3, vm0, $0xb8;
	[tilespmem:$0x18400] =	vst v63  }
0x25d: {  	v3 =	vld [tilespmem:$0x330];
	_ =	sdelay $0x4  }
0x25e: {  	v51 =	vshll.u32 v3, $0x1  }
0x25f: {  	v3 =	vand.u32 $0x7, v3;
	v4 =	vand.u32 $0xFFFFFFF0, v51  }
0x260: {  	v3 =	vor.u32 v3, v4  }
0x261: {  	v4 =	vperm.xlane v3, v0;
	_ =	sdelay $0x1  }
0x262: {  	v3 =	vperm.xlane v3, v2;
	v4 =	vadd.s32 v1, v4;
	_ =	sdelay $0x1  }
0x263: {  	v3 =	vadd.s32 v1, v3;
	_ =	sdelay $0x1  }
0x264: {  	s21 =	simm.s32 $0x3400  }
0x265: {  	[tilespmem:s21], [sflag:$0x2] =	stream.indirect_vreg.gather [hbm4b:s2+s3], $0x80, v4, vm0, $0xb8;
	[tilespmem:$0x18400] =	vst v63  }
0x266: {  	s19 =	simm.s32 $0x3C00  }
0x267: {  	[tilespmem:s19], [sflag:$0x2] =	stream.indirect_vreg.gather [hbm4b:s2+s3], $0x80, v3, vm0, $0xb8;
	[tilespmem:$0x18400] =	vst v63  }
0x268: {  	v3 =	vld [tilespmem:$0x340];
	_ =	sdelay $0x4  }
0x269: {  	v52 =	vshll.u32 v3, $0x1  }
0x26a: {  	v3 =	vand.u32 $0x7, v3;
	v4 =	vand.u32 $0xFFFFFFF0, v52  }
0x26b: {  	v3 =	vor.u32 v3, v4  }
0x26c: {  	v4 =	vperm.xlane v3, v0;
	_ =	sdelay $0x1  }
0x26d: {  	v3 =	vperm.xlane v3, v2;
	v4 =	vadd.s32 v1, v4;
	_ =	sdelay $0x1  }
0x26e: {  	v3 =	vadd.s32 v1, v3;
	_ =	sdelay $0x1  }
0x26f: {  	s20 =	simm.s32 $0x4400  }
0x270: {  	[tilespmem:s20], [sflag:$0x2] =	stream.indirect_vreg.gather [hbm4b:s2+s3], $0x80, v4, vm0, $0xb8;
	[tilespmem:$0x18400] =	vst v63  }
0x271: {  	s21 =	simm.s32 $0x4C00  }
0x272: {  	[tilespmem:s21], [sflag:$0x2] =	stream.indirect_vreg.gather [hbm4b:s2+s3], $0x80, v3, vm0, $0xb8;
	[tilespmem:$0x18400] =	vst v63  }
0x273: {  	v3 =	vld [tilespmem:$0x350];
	_ =	sdelay $0x4  }
0x274: {  	v53 =	vshll.u32 v3, $0x1  }
0x275: {  	v3 =	vand.u32 $0x7, v3;
	v4 =	vand.u32 $0xFFFFFFF0, v53  }
0x276: {  	v3 =	vor.u32 v3, v4  }
0x277: {  	v4 =	vperm.xlane v3, v0;
	_ =	sdelay $0x1  }
0x278: {  	v3 =	vperm.xlane v3, v2;
	v4 =	vadd.s32 v1, v4;
	_ =	sdelay $0x1  }
0x279: {  	v3 =	vadd.s32 v1, v3;
	_ =	sdelay $0x1  }
0x27a: {  	s19 =	simm.s32 $0x5400  }
0x27b: {  	[tilespmem:s19], [sflag:$0x2] =	stream.indirect_vreg.gather [hbm4b:s2+s3], $0x80, v4, vm0, $0xb8;
	[tilespmem:$0x18400] =	vst v63  }
0x27c: {  	s20 =	simm.s32 $0x5C00  }
0x27d: {  	[tilespmem:s20], [sflag:$0x2] =	stream.indirect_vreg.gather [hbm4b:s2+s3], $0x80, v3, vm0, $0xb8;
	[tilespmem:$0x18400] =	vst v63  }
0x27e: {  	v3 =	vld [tilespmem:$0x360];
	_ =	sdelay $0x4  }
0x27f: {  	v54 =	vshll.u32 v3, $0x1  }
0x280: {  	v3 =	vand.u32 $0x7, v3;
	v4 =	vand.u32 $0xFFFFFFF0, v54  }
0x281: {  	v3 =	vor.u32 v3, v4  }
0x282: {  	v4 =	vperm.xlane v3, v0;
	_ =	sdelay $0x1  }
0x283: {  	v3 =	vperm.xlane v3, v2;
	v4 =	vadd.s32 v1, v4;
	_ =	sdelay $0x1  }
0x284: {  	v3 =	vadd.s32 v1, v3;
	_ =	sdelay $0x1  }
0x285: {  	s21 =	simm.s32 $0x6400  }
0x286: {  	[tilespmem:s21], [sflag:$0x2] =	stream.indirect_vreg.gather [hbm4b:s2+s3], $0x80, v4, vm0, $0xb8;
	[tilespmem:$0x18400] =	vst v63  }
0x287: {  	s19 =	simm.s32 $0x6C00  }
0x288: {  	[tilespmem:s19], [sflag:$0x2] =	stream.indirect_vreg.gather [hbm4b:s2+s3], $0x80, v3, vm0, $0xb8;
	[tilespmem:$0x18400] =	vst v63  }
0x289: {  	v3 =	vld [tilespmem:$0x370];
	_ =	sdelay $0x4  }
0x28a: {  	v55 =	vshll.u32 v3, $0x1  }
0x28b: {  	v3 =	vand.u32 $0x7, v3;
	v4 =	vand.u32 $0xFFFFFFF0, v55  }
0x28c: {  	v3 =	vor.u32 v3, v4  }
0x28d: {  	v4 =	vperm.xlane v3, v0;
	_ =	sdelay $0x1  }
0x28e: {  	v3 =	vperm.xlane v3, v2;
	v4 =	vadd.s32 v1, v4;
	_ =	sdelay $0x1  }
0x28f: {  	v3 =	vadd.s32 v1, v3;
	_ =	sdelay $0x1  }
0x290: {  	s20 =	simm.s32 $0x7400  }
0x291: {  	[tilespmem:s20], [sflag:$0x2] =	stream.indirect_vreg.gather [hbm4b:s2+s3], $0x80, v4, vm0, $0xb8;
	[tilespmem:$0x18400] =	vst v63  }
0x292: {  	s21 =	simm.s32 $0x7C00  }
0x293: {  	[tilespmem:s21], [sflag:$0x2] =	stream.indirect_vreg.gather [hbm4b:s2+s3], $0x80, v3, vm0, $0xb8;
	[tilespmem:$0x18400] =	vst v63  }
0x294: {  	_ =	swait.ge [sflag:s15], $0x8000  }
0x295: {  	[sflag:s15] =	ssyncset.done $0x0  }
0x296: {  	s1 =	rddreg [dreg:$0xb];
	[sflag:s15] =	ssyncadd.s32 $0xFFFF8000  }
0x297: {  	[hbm4b:s1+s3] =	stream.linear.scatter [tilespmem:s22], [sflag:$0x6], $0x8000, $0x38;
	[tilespmem:$0x18400] =	vst v63  }
0x298: {  	_ =	swait.ge [sflag:s16], $0x8000  }
0x299: {  	[sflag:s16] =	ssyncset.done $0x0  }
0x29a: {  	[sflag:s16] =	ssyncadd.s32 $0xFFFF8000  }
0x29b: {  	v3 =	vld [tilespmem:$0x380];
	_ =	sdelay $0x4  }
0x29c: {  	v56 =	vshll.u32 v3, $0x1  }
0x29d: {  	v3 =	vand.u32 $0x7, v3;
	v4 =	vand.u32 $0xFFFFFFF0, v56  }
0x29e: {  	v3 =	vor.u32 v3, v4  }
0x29f: {  	v4 =	vperm.xlane v3, v0;
	_ =	sdelay $0x1  }
0x2a0: {  	v3 =	vperm.xlane v3, v2;
	v4 =	vadd.s32 v1, v4;
	_ =	sdelay $0x1  }
0x2a1: {  	v3 =	vadd.s32 v1, v3;
	_ =	sdelay $0x2  }
0x2a2: {  	[tilespmem:s22], [sflag:$0x3] =	stream.indirect_vreg.gather [hbm4b:s2+s3], $0x80, v4, vm0, $0xb8;
	[tilespmem:$0x18400] =	vst v63  }
0x2a3: {  	s19 =	simm.s32 $0x8C00  }
0x2a4: {  	[tilespmem:s19], [sflag:$0x3] =	stream.indirect_vreg.gather [hbm4b:s2+s3], $0x80, v3, vm0, $0xb8;
	[tilespmem:$0x18400] =	vst v63  }
0x2a5: {  	v3 =	vld [tilespmem:$0x390];
	_ =	sdelay $0x4  }
0x2a6: {  	v57 =	vshll.u32 v3, $0x1  }
0x2a7: {  	v3 =	vand.u32 $0x7, v3;
	v4 =	vand.u32 $0xFFFFFFF0, v57  }
0x2a8: {  	v3 =	vor.u32 v3, v4  }
0x2a9: {  	v4 =	vperm.xlane v3, v0;
	_ =	sdelay $0x1  }
0x2aa: {  	v3 =	vperm.xlane v3, v2;
	v4 =	vadd.s32 v1, v4;
	_ =	sdelay $0x1  }
0x2ab: {  	v3 =	vadd.s32 v1, v3;
	_ =	sdelay $0x1  }
0x2ac: {  	s20 =	simm.s32 $0x9400  }
0x2ad: {  	[tilespmem:s20], [sflag:$0x3] =	stream.indirect_vreg.gather [hbm4b:s2+s3], $0x80, v4, vm0, $0xb8;
	[tilespmem:$0x18400] =	vst v63  }
0x2ae: {  	s21 =	simm.s32 $0x9C00  }
0x2af: {  	[tilespmem:s21], [sflag:$0x3] =	stream.indirect_vreg.gather [hbm4b:s2+s3], $0x80, v3, vm0, $0xb8;
	[tilespmem:$0x18400] =	vst v63  }
0x2b0: {  	v3 =	vld [tilespmem:$0x3A0];
	_ =	sdelay $0x4  }
0x2b1: {  	v58 =	vshll.u32 v3, $0x1  }
0x2b2: {  	v3 =	vand.u32 $0x7, v3;
	v4 =	vand.u32 $0xFFFFFFF0, v58  }
0x2b3: {  	v3 =	vor.u32 v3, v4  }
0x2b4: {  	v4 =	vperm.xlane v3, v0;
	_ =	sdelay $0x1  }
0x2b5: {  	v3 =	vperm.xlane v3, v2;
	v4 =	vadd.s32 v1, v4;
	_ =	sdelay $0x1  }
0x2b6: {  	v3 =	vadd.s32 v1, v3;
	_ =	sdelay $0x1  }
0x2b7: {  	s19 =	simm.s32 $0xA400  }
0x2b8: {  	[tilespmem:s19], [sflag:$0x3] =	stream.indirect_vreg.gather [hbm4b:s2+s3], $0x80, v4, vm0, $0xb8;
	[tilespmem:$0x18400] =	vst v63  }
0x2b9: {  	s20 =	simm.s32 $0xAC00  }
0x2ba: {  	[tilespmem:s20], [sflag:$0x3] =	stream.indirect_vreg.gather [hbm4b:s2+s3], $0x80, v3, vm0, $0xb8;
	[tilespmem:$0x18400] =	vst v63  }
0x2bb: {  	v3 =	vld [tilespmem:$0x3B0];
	_ =	sdelay $0x4  }
0x2bc: {  	v59 =	vshll.u32 v3, $0x1  }
0x2bd: {  	v3 =	vand.u32 $0x7, v3;
	v4 =	vand.u32 $0xFFFFFFF0, v59  }
0x2be: {  	v3 =	vor.u32 v3, v4  }
0x2bf: {  	v4 =	vperm.xlane v3, v0;
	_ =	sdelay $0x1  }
0x2c0: {  	v3 =	vperm.xlane v3, v2;
	v4 =	vadd.s32 v1, v4;
	_ =	sdelay $0x1  }
0x2c1: {  	v3 =	vadd.s32 v1, v3;
	_ =	sdelay $0x1  }
0x2c2: {  	s21 =	simm.s32 $0xB400  }
0x2c3: {  	[tilespmem:s21], [sflag:$0x3] =	stream.indirect_vreg.gather [hbm4b:s2+s3], $0x80, v4, vm0, $0xb8;
	[tilespmem:$0x18400] =	vst v63  }
0x2c4: {  	s19 =	simm.s32 $0xBC00  }
0x2c5: {  	[tilespmem:s19], [sflag:$0x3] =	stream.indirect_vreg.gather [hbm4b:s2+s3], $0x80, v3, vm0, $0xb8;
	[tilespmem:$0x18400] =	vst v63  }
0x2c6: {  	v3 =	vld [tilespmem:$0x3C0];
	_ =	sdelay $0x4  }
0x2c7: {  	v60 =	vshll.u32 v3, $0x1  }
0x2c8: {  	v3 =	vand.u32 $0x7, v3;
	v4 =	vand.u32 $0xFFFFFFF0, v60  }
0x2c9: {  	v3 =	vor.u32 v3, v4  }
0x2ca: {  	v4 =	vperm.xlane v3, v0;
	_ =	sdelay $0x1  }
0x2cb: {  	v3 =	vperm.xlane v3, v2;
	v4 =	vadd.s32 v1, v4;
	_ =	sdelay $0x1  }
0x2cc: {  	v3 =	vadd.s32 v1, v3;
	_ =	sdelay $0x1  }
0x2cd: {  	s20 =	simm.s32 $0xC400  }
0x2ce: {  	[tilespmem:s20], [sflag:$0x3] =	stream.indirect_vreg.gather [hbm4b:s2+s3], $0x80, v4, vm0, $0xb8;
	[tilespmem:$0x18400] =	vst v63  }
0x2cf: {  	s21 =	simm.s32 $0xCC00  }
0x2d0: {  	[tilespmem:s21], [sflag:$0x3] =	stream.indirect_vreg.gather [hbm4b:s2+s3], $0x80, v3, vm0, $0xb8;
	[tilespmem:$0x18400] =	vst v63  }
0x2d1: {  	v3 =	vld [tilespmem:$0x3D0];
	_ =	sdelay $0x4  }
0x2d2: {  	v61 =	vshll.u32 v3, $0x1  }
0x2d3: {  	v3 =	vand.u32 $0x7, v3;
	v4 =	vand.u32 $0xFFFFFFF0, v61  }
0x2d4: {  	v3 =	vor.u32 v3, v4  }
0x2d5: {  	v4 =	vperm.xlane v3, v0;
	_ =	sdelay $0x1  }
0x2d6: {  	v3 =	vperm.xlane v3, v2;
	v4 =	vadd.s32 v1, v4;
	_ =	sdelay $0x1  }
0x2d7: {  	v3 =	vadd.s32 v1, v3;
	_ =	sdelay $0x1  }
0x2d8: {  	s19 =	simm.s32 $0xD400  }
0x2d9: {  	[tilespmem:s19], [sflag:$0x3] =	stream.indirect_vreg.gather [hbm4b:s2+s3], $0x80, v4, vm0, $0xb8;
	[tilespmem:$0x18400] =	vst v63  }
0x2da: {  	s20 =	simm.s32 $0xDC00  }
0x2db: {  	[tilespmem:s20], [sflag:$0x3] =	stream.indirect_vreg.gather [hbm4b:s2+s3], $0x80, v3, vm0, $0xb8;
	[tilespmem:$0x18400] =	vst v63  }
0x2dc: {  	v3 =	vld [tilespmem:$0x3E0];
	_ =	sdelay $0x4  }
0x2dd: {  	v62 =	vshll.u32 v3, $0x1  }
0x2de: {  	v3 =	vand.u32 $0x7, v3;
	v4 =	vand.u32 $0xFFFFFFF0, v62  }
0x2df: {  	v3 =	vor.u32 v3, v4  }
0x2e0: {  	v4 =	vperm.xlane v3, v0;
	_ =	sdelay $0x1  }
0x2e1: {  	v3 =	vperm.xlane v3, v2;
	v4 =	vadd.s32 v1, v4;
	_ =	sdelay $0x1  }
0x2e2: {  	v3 =	vadd.s32 v1, v3;
	_ =	sdelay $0x1  }
0x2e3: {  	s21 =	simm.s32 $0xE400  }
0x2e4: {  	[tilespmem:s21], [sflag:$0x3] =	stream.indirect_vreg.gather [hbm4b:s2+s3], $0x80, v4, vm0, $0xb8;
	[tilespmem:$0x18400] =	vst v63  }
0x2e5: {  	s19 =	simm.s32 $0xEC00  }
0x2e6: {  	[tilespmem:s19], [sflag:$0x3] =	stream.indirect_vreg.gather [hbm4b:s2+s3], $0x80, v3, vm0, $0xb8;
	[tilespmem:$0x18400] =	vst v63  }
0x2e7: {  	v3 =	vld [tilespmem:$0x3F0];
	_ =	sdelay $0x4  }
0x2e8: {  	v63 =	vshll.u32 v3, $0x1  }
0x2e9: {  	v3 =	vand.u32 $0x7, v3;
	v4 =	vand.u32 $0xFFFFFFF0, v63  }
0x2ea: {  	v3 =	vor.u32 v3, v4  }
0x2eb: {  	v4 =	vperm.xlane v3, v0;
	_ =	sdelay $0x1  }
0x2ec: {  	v3 =	vperm.xlane v3, v2;
	v4 =	vadd.s32 v1, v4;
	_ =	sdelay $0x1  }
0x2ed: {  	v3 =	vadd.s32 v1, v3;
	_ =	sdelay $0x1  }
0x2ee: {  	s20 =	simm.s32 $0xF400  }
0x2ef: {  	[tilespmem:s20], [sflag:$0x3] =	stream.indirect_vreg.gather [hbm4b:s2+s3], $0x80, v4, vm0, $0xb8;
	[tilespmem:$0x18400] =	vst v63  }
0x2f0: {  	s21 =	simm.s32 $0xFC00  }
0x2f1: {  	[tilespmem:s21], [sflag:$0x3] =	stream.indirect_vreg.gather [hbm4b:s2+s3], $0x80, v3, vm0, $0xb8;
	[tilespmem:$0x18400] =	vst v63  }
0x2f2: {  	_ =	swait.ge [sflag:s17], $0x8000  }
0x2f3: {  	[sflag:s17] =	ssyncset.done $0x0  }
0x2f4: {  	s1 =	rddreg [dreg:$0xc];
	[sflag:s17] =	ssyncadd.s32 $0xFFFF8000  }
0x2f5: {  	[hbm4b:s1+s3] =	stream.linear.scatter [tilespmem:s0], [sflag:$0x7], $0x8000, $0x38;
	[tilespmem:$0x18400] =	vst v63  }
0x2f6: {  	_ =	swait.ge [sflag:s13], $0x8000  }
0x2f7: {  	[sflag:s13] =	ssyncset.done $0x0  }
0x2f8: {  	s20 =	rddreg [dreg:$0xd];
	[sflag:s13] =	ssyncadd.s32 $0xFFFF8000  }
0x2f9: {  	[hbm4b:s20+s3] =	stream.linear.scatter [tilespmem:s6], [sflag:$0x5], $0x8000, $0x38;
	[tilespmem:$0x18400] =	vst v63  }
0x2fa: {  	_ =	swait.ge [sflag:s15], $0x8000  }
0x2fb: {  	[sflag:s15] =	ssyncset.done $0x0  }
0x2fc: {  	s21 =	rddreg [dreg:$0xe];
	[sflag:s15] =	ssyncadd.s32 $0xFFFF8000  }
0x2fd: {  	[hbm4b:s21+s3] =	stream.linear.scatter [tilespmem:s22], [sflag:$0x6], $0x8000, $0x38;
	[tilespmem:$0x18400] =	vst v63  }
0x2fe: {  	_ =	swait.ge [sflag:s18], $0x8000  }
0x2ff: {  	[sflag:s18] =	ssyncset.done $0x0  }
0x300: {  	[sflag:s18] =	ssyncadd.s32 $0xFFFF8000  }
0x301: {  	p0 =	sne.s32 s4, $0x1;
	_ =	swait.ge [sflag:s14], $0x8000  }
.Ltmp0:
0x302: {  	[sflag:s14] =	ssyncset.done $0x0;
	(pc) =	sbr.rel @p0 .LBB2_1-.Ltmp0, $4  }
0x303: {  	[sflag:s14] =	ssyncadd.s32 $0xFFFF8000  }
0x304: {  	_ =	swait.ge [sflag:s16], $0x8000  }
0x305: {  	[sflag:s16] =	ssyncset.done $0x0  }
0x306: {  	s4 =	sadd.s32 $0xFFFFFFFF, s4;
	[sflag:s16] =	ssyncadd.s32 $0xFFFF8000  }
0x307: {  	_ =	sfence.sel $0x180000  }
0x308: {  	[bflag:$0x0] =	sbarrier.arrive $0xFFFF  }
0x309: {  	_ =	strace $0x90000047  }
0x30a: {  	s0 =	stileid.u32;
	[bflag:$0x2] =	sbarrier.arrive $0xFFFF  }
0x30b: {  	p0 =	sne.s32 s0, $0x0;
	s0 =	rddreg [dreg:$0x4]  }
0x30c: {  	s0 =	sadd.s32 @!p0 $0x100000, s0  }
0x30d: {  	[sflag:s0] =	ssyncadd.tile.s32 @!p0 $0x1;
	_ =	shalt  }
.Lfunc_end2:
_tile_overlayer_lowered:
.L_overlay_start_2:
0x30e: {  	(tag) =	ssettag $0x2  }
0x30f: {  	s0 =	rddreg [dreg:$0x0];
	s2 =	stileid.u32  }
0x310: {  	s1 =	rddreg [dreg:$0x1];
	p0 =	sne.s32 s2, $0x0  }
0x311: {  	s3 =	rddreg [dreg:$0x2];
	[bflag:$0x3] =	sbarrier.arrive $0xFFFF;
	s2 =	simm.s32 @!p0 $0x1C08  }
0x312: {  	[timem:s3], [sflag:s2] =	dma.local @!p0 [hbm:s0], s1  }
0x313: {  	s0 =	simm.s32 @!p0 $0x8  }
0x314: {  	_ =	swait.ge @!p0 [sflag:s0], s1  }
0x315: {  	s1 =	ssub.s32 @!p0 $0x0, s1;
	[sflag:s0] =	ssyncset.done @!p0 $0x0  }
0x316: {  	[sflag:s0] =	ssyncadd.s32 @!p0 s1  }
0x317: {  	[bflag:$0x3] =	sbarrier.arrive $0xFFFF  }
0x318: {  	_ =	shalt  }

</sc_bundles>
